<compile_context>
chip_gen: v7x
topology: tpu7x:2x2x1
jax: 0.10.2.dev20260603
libtpu: 0.0.44.dev20260713+nightly
codegen_flags: <defaults>
</compile_context>

<pallas_src>
import functools

import jax
import jax.numpy as jnp
from jax import lax
from jax.experimental import pallas as pl
from jax.experimental.pallas import tpu as pltpu
from jax.experimental.pallas import tpu_sc as plsc

RADIUS = 1.0
EPS = 1e-4
NY = 201
NUM_DIMS = 4
N_ROWS = 200000

M_GRID = 1024
H = 2.0 / M_GRID
TAB_ROWS = M_GRID + 1
TAB_ROWS_PAD = 1032
TAB_FLAT = TAB_ROWS * 12
TAB_FLAT_PAD = 12304

NW = 32
CH = 6272
NCH_FULL = CH // 16
LAST_BASE = (NW - 1) * CH
CH_LAST = N_ROWS - LAST_BASE
NCH_LAST = CH_LAST // 16
N_GROUPS = 1563
OUT_WORDS = N_GROUPS * 512
CH_OUT = 49 * 512
CH_OUT_LAST = OUT_WORDS - (NW - 1) * CH_OUT


def _table_body(icpt_ref, d_ref, m1_ref, m2_ref):
    b = icpt_ref[...]
    bm = b - jnp.mean(b, axis=0, keepdims=True)
    jj = lax.broadcasted_iota(jnp.int32, (NY, NUM_DIMS), 0).astype(jnp.float32)
    y = jj * 0.01 - 1.0
    e = jnp.exp(-50.0 * bm)
    c0 = e
    c1 = y * e
    c2 = (-0.5 * y * y - bm) * e
    mm = lax.broadcasted_iota(jnp.int32, (TAB_ROWS_PAD, NY), 0).astype(jnp.float32)
    jb = lax.broadcasted_iota(jnp.int32, (TAB_ROWS_PAD, NY), 1).astype(jnp.float32)
    xs = mm * H - 1.0
    yb = jb * 0.01 - 1.0
    diff = xs - yb
    a = jnp.exp(-25.0 * diff * diff)
    hi = jax.lax.Precision.HIGHEST
    d_ref[...] = jnp.dot(a, c0, precision=hi, preferred_element_type=jnp.float32)
    m1_ref[...] = jnp.dot(a, c1, precision=hi, preferred_element_type=jnp.float32)
    m2_ref[...] = jnp.dot(a, c2, precision=hi, preferred_element_type=jnp.float32)


_mesh = plsc.VectorSubcoreMesh(core_axis_name="c", subcore_axis_name="s")


@functools.partial(
    pl.kernel,
    mesh=_mesh,
    compiler_params=pltpu.CompilerParams(needs_layout_passes=False),
    out_type=(
        jax.ShapeDtypeStruct((OUT_WORDS,), jnp.float32),
        jax.ShapeDtypeStruct((N_ROWS,), jnp.float32),
    ),
    scratch_types=[
        pltpu.VMEM((CH * 4,), jnp.float32),
        pltpu.VMEM((TAB_FLAT_PAD,), jnp.float32),
        pltpu.VMEM((CH_OUT,), jnp.float32),
        pltpu.VMEM((CH,), jnp.float32),
    ],
)
def _sc_interp(x0, x1, x2, x3, tab_hbm, ch_hbm, f_hbm, x_v, tab_v, ch_v, f_v):
    wid = lax.axis_index("s") * 2 + lax.axis_index("c")
    base = wid * CH
    is_last = wid == NW - 1
    xs_in = (x0, x1, x2, x3)

    @pl.when(jnp.logical_not(is_last))
    def _():
        for d in range(NUM_DIMS):
            pltpu.sync_copy(xs_in[d].at[pl.ds(base, CH)], x_v.at[pl.ds(d * CH, CH)])

    @pl.when(is_last)
    def _():
        for d in range(NUM_DIMS):
            pltpu.sync_copy(
                xs_in[d].at[pl.ds(LAST_BASE, CH_LAST)], x_v.at[pl.ds(d * CH, CH_LAST)]
            )

    pltpu.sync_copy(tab_hbm, tab_v)
    nch = jnp.where(is_last, NCH_LAST, NCH_FULL)

    @plsc.parallel_loop(0, nch, unroll=2)
    def body(i):
        out0 = (i // 8) * 512 + (i % 8) * 16
        facc = jnp.zeros((16,), jnp.float32)
        for d in range(NUM_DIMS):
            x = x_v[pl.ds(d * CH + i * 16, 16)]
            xc = jnp.clip(x, -RADIUS + EPS, RADIUS - EPS)
            p = (xc + 1.0) * (M_GRID / 2.0)
            ji = p.astype(jnp.int32)
            t = p - ji.astype(jnp.float32)
            idx0 = ji * 12 + (d * 3)
            acc = [None, None, None]
            for k in range(3):
                v0 = plsc.load_gather(tab_v, [idx0 + k])
                v1 = plsc.load_gather(tab_v, [idx0 + (12 + k)])
                acc[k] = v0 + t * (v1 - v0)
            rd = 1.0 / acc[0]
            ch = acc[1] * rd
            fd = xc * ch + acc[2] * rd - 0.5 * xc * xc
            facc = facc + fd
            ch_v[pl.ds(out0 + d * 128, 16)] = ch
        f_v[pl.ds(i * 16, 16)] = facc

    @pl.when(jnp.logical_not(is_last))
    def _():
        pltpu.sync_copy(ch_v, ch_hbm.at[pl.ds(wid * CH_OUT, CH_OUT)])
        pltpu.sync_copy(f_v, f_hbm.at[pl.ds(base, CH)])

    @pl.when(is_last)
    def _():
        pltpu.sync_copy(
            ch_v.at[pl.ds(0, CH_OUT_LAST)],
            ch_hbm.at[pl.ds((NW - 1) * CH_OUT, CH_OUT_LAST)],
        )
        pltpu.sync_copy(f_v.at[pl.ds(0, CH_LAST)], f_hbm.at[pl.ds(LAST_BASE, CH_LAST)])


def kernel(X, intercepts):
    dt, m1t, m2t = pl.pallas_call(
        _table_body,
        out_shape=[jax.ShapeDtypeStruct((TAB_ROWS_PAD, NUM_DIMS), jnp.float32)] * 3,
    )(intercepts)
    t3 = jnp.stack([dt, m1t, m2t], axis=-1)
    tab = jnp.concatenate(
        [t3[:TAB_ROWS].reshape(-1), jnp.zeros((TAB_FLAT_PAD - TAB_FLAT,), jnp.float32)]
    )
    ch_flat, f_f = _sc_interp(X[:, 0], X[:, 1], X[:, 2], X[:, 3], tab)
    choice = (
        ch_flat.reshape(N_GROUPS, NUM_DIMS, 128)
        .transpose(0, 2, 1)
        .reshape(N_GROUPS * 128, NUM_DIMS)[:N_ROWS]
    )
    return choice, f_f

# --- scband reference (transcript-rebuilt; emitter-appended) ---
"""Pipeline reference for scband-finite-separable-model-33045478375827 (READ-ONLY COPY).

The authoritative reference and input builder live on the scoring server;
editing this copy changes nothing except your own understanding.
"""

import jax, jax.numpy as jnp
import numpy as np

RADIUS = 1.0
Y_ACC = 0.01
NUM_DIMS = 4
TEMP = 50.0
EPS = 1e-4
N = 200000
NY = int(2 * RADIUS / Y_ACC) + 1  # 201


def kernel_fn(x, y):
    # kernel passed at init: lambda x, y: -0.5 * (x - y) ** 2
    return -0.5 * (x - y) ** 2


def setup_inputs(seed: int = 0) -> dict:
    key = jax.random.key(seed)
    k1, k2 = jax.random.split(key)
    # forward arg X: float32[N, num_dims], values within [-radius, radius]
    X = jax.random.uniform(k1, (N, NUM_DIMS), dtype=jnp.float32, minval=-RADIUS, maxval=RADIUS)
    # learned parameter: ZeroMean intercepts, raw values [ny, num_dims]
    intercepts = jax.random.normal(k2, (NY, NUM_DIMS), dtype=jnp.float32) * 0.01
    return {"X": X, "intercepts": intercepts}


def reference(X, intercepts):
    # selection_mode='soft' (default), mode='convex'
    ny = intercepts.shape[0]
    Y_grid = jnp.linspace(-RADIUS, RADIUS, ny).astype(X.dtype)
    # ZeroMean parametrization: column-wise zero-mean intercepts
    b_val = intercepts - jnp.mean(intercepts, axis=0, keepdims=True)
    choices = []
    vals = []
    for d in range(NUM_DIMS):
        x_vals = X[:, d]
        x_clamped = jnp.clip(x_vals, -RADIUS + EPS, RADIUS - EPS)  # self.project
        # kernel_scores: [N, ny]
        kernel_scores = kernel_fn(x_clamped[:, None], Y_grid[None, :])
        b = b_val[:, d][None, :]
        scores = kernel_scores - b
        # moded_max soft selection (convex mode): softmax-weighted choice and value
        w = jax.nn.softmax(TEMP * scores, axis=1)
        choice = jnp.sum(w * Y_grid[None, :], axis=1)
        f_x = jnp.sum(w * scores, axis=1)
        choices.append(choice)
        vals.append(f_x)
    f_x_total = jnp.stack(vals, axis=1).sum(axis=1)
    choice_all = jnp.stack(choices, axis=1)
    return choice_all, f_x_total

if __name__ == "__main__":
    import jax
    _d = setup_inputs()
    print(jax.jit(kernel)(*tuple(_d.values())))

</pallas_src>

<mosaic_0001>
#map = affine_map<(d0, d1) -> (0)>
module attributes {stable_mosaic.version = 14 : i64} {
  func.func @_sc_interp(%arg0: i32, %arg1: i32, %arg2: memref<200000xf32, #tpu.memory_space<hbm>>, %arg3: memref<200000xf32, #tpu.memory_space<hbm>>, %arg4: memref<200000xf32, #tpu.memory_space<hbm>>, %arg5: memref<200000xf32, #tpu.memory_space<hbm>>, %arg6: memref<12304xf32, #tpu.memory_space<hbm>>, %arg7: memref<800256xf32, #tpu.memory_space<hbm>>, %arg8: memref<200000xf32, #tpu.memory_space<hbm>>, %arg9: memref<25088xf32, #tpu.memory_space<vmem>>, %arg10: memref<12304xf32, #tpu.memory_space<vmem>>, %arg11: memref<25088xf32, #tpu.memory_space<vmem>>, %arg12: memref<6272xf32, #tpu.memory_space<vmem>>) attributes {dimension_semantics = [#tpu.dimension_semantics<core_parallel>, #tpu.dimension_semantics<subcore_parallel>], iteration_bounds = array<i64: 2, 16>, scalar_prefetch = 0 : i64, scratch_operands = 4 : i64, tpu.core_type = #tpu.core_type<sc_vector_subcore>, window_params = [{transform_indices = #map}, {transform_indices = #map}, {transform_indices = #map}, {transform_indices = #map}, {transform_indices = #map}, {transform_indices = #map}, {transform_indices = #map}]} {
    %mul3A = arith.constant 2 : i32
    %mul3A_0 = arith.muli %arg1, %mul3A : i32
    %add3A = arith.addi %mul3A_0, %arg0 : i32
    %mul3A_1 = arith.constant 6272 : i32
    %mul3A_2 = arith.muli %add3A, %mul3A_1 : i32
    %eq3A = arith.constant 31 : i32
    %eq3A_3 = arith.cmpi eq, %add3A, %eq3A : i32
    %not3A = arith.constant true
    %not3A_4 = arith.xori %eq3A_3, %not3A : i1
    %convert_element_type3A = arith.extui %not3A_4 : i1 to i32
    %cond3A = arith.constant 0 : i32
    %cond3A_5 = arith.cmpi ne, %convert_element_type3A, %cond3A : i32
    scf.if %cond3A_5 {
      "tpu.region"() ({
        %run_scoped3A = tpu.sem_alloc : memref<!tpu.dma_semaphore, #tpu.memory_space<semaphore_mem>>
        %dma_start3A = arith.constant 0 : i32
        %dma_start3A_19 = tpu.memref_slice %arg9[%dma_start3A] : memref<25088xf32, #tpu.memory_space<vmem>> -> memref<6272xf32, #tpu.memory_space<vmem>>
        %dma_start3A_20 = tpu.memref_slice %arg2[%mul3A_2] : memref<200000xf32, #tpu.memory_space<hbm>> -> memref<6272xf32, #tpu.memory_space<hbm>>
        %dma_start3A_21 = arith.constant 0 : i32
        %dma_start3A_22 = tpu.memref_slice %arg9[%dma_start3A_21] : memref<25088xf32, #tpu.memory_space<vmem>> -> memref<6272xf32, #tpu.memory_space<vmem>>
        %dma_start3A_23 = tpu.memref_slice %arg2[%mul3A_2] : memref<200000xf32, #tpu.memory_space<hbm>> -> memref<6272xf32, #tpu.memory_space<hbm>>
        tpu.enqueue_dma source(%dma_start3A_23 : memref<6272xf32, #tpu.memory_space<hbm>>) target(%dma_start3A_22 : memref<6272xf32, #tpu.memory_space<vmem>>) target_semaphore(%run_scoped3A : memref<!tpu.dma_semaphore, #tpu.memory_space<semaphore_mem>>)
        %dma_wait3A = arith.constant 0 : i32
        %dma_wait3A_24 = tpu.memref_slice %arg9[%dma_wait3A] : memref<25088xf32, #tpu.memory_space<vmem>> -> memref<6272xf32, #tpu.memory_space<vmem>>
        %dma_wait3A_25 = tpu.memref_slice %arg2[%mul3A_2] : memref<200000xf32, #tpu.memory_space<hbm>> -> memref<6272xf32, #tpu.memory_space<hbm>>
        %dma_wait3A_26 = arith.constant 0 : i32
        %dma_wait3A_27 = tpu.memref_slice %arg9[%dma_wait3A_26] : memref<25088xf32, #tpu.memory_space<vmem>> -> memref<6272xf32, #tpu.memory_space<vmem>>
        %dma_wait3A_28 = tpu.memref_slice %arg2[%mul3A_2] : memref<200000xf32, #tpu.memory_space<hbm>> -> memref<6272xf32, #tpu.memory_space<hbm>>
        tpu.wait_dma2 semaphore(%run_scoped3A : memref<!tpu.dma_semaphore, #tpu.memory_space<semaphore_mem>>) src(%dma_wait3A_28 : memref<6272xf32, #tpu.memory_space<hbm>>) dst(%dma_wait3A_27 : memref<6272xf32, #tpu.memory_space<vmem>>)
        tpu.yield
      }) : () -> ()
      "tpu.region"() ({
        %run_scoped3A = tpu.sem_alloc : memref<!tpu.dma_semaphore, #tpu.memory_space<semaphore_mem>>
        %dma_start3A = arith.constant 6272 : i32
        %dma_start3A_19 = tpu.memref_slice %arg9[%dma_start3A] : memref<25088xf32, #tpu.memory_space<vmem>> -> memref<6272xf32, #tpu.memory_space<vmem>>
        %dma_start3A_20 = tpu.memref_slice %arg3[%mul3A_2] : memref<200000xf32, #tpu.memory_space<hbm>> -> memref<6272xf32, #tpu.memory_space<hbm>>
        %dma_start3A_21 = arith.constant 6272 : i32
        %dma_start3A_22 = tpu.memref_slice %arg9[%dma_start3A_21] : memref<25088xf32, #tpu.memory_space<vmem>> -> memref<6272xf32, #tpu.memory_space<vmem>>
        %dma_start3A_23 = tpu.memref_slice %arg3[%mul3A_2] : memref<200000xf32, #tpu.memory_space<hbm>> -> memref<6272xf32, #tpu.memory_space<hbm>>
        tpu.enqueue_dma source(%dma_start3A_23 : memref<6272xf32, #tpu.memory_space<hbm>>) target(%dma_start3A_22 : memref<6272xf32, #tpu.memory_space<vmem>>) target_semaphore(%run_scoped3A : memref<!tpu.dma_semaphore, #tpu.memory_space<semaphore_mem>>)
        %dma_wait3A = arith.constant 6272 : i32
        %dma_wait3A_24 = tpu.memref_slice %arg9[%dma_wait3A] : memref<25088xf32, #tpu.memory_space<vmem>> -> memref<6272xf32, #tpu.memory_space<vmem>>
        %dma_wait3A_25 = tpu.memref_slice %arg3[%mul3A_2] : memref<200000xf32, #tpu.memory_space<hbm>> -> memref<6272xf32, #tpu.memory_space<hbm>>
        %dma_wait3A_26 = arith.constant 6272 : i32
        %dma_wait3A_27 = tpu.memref_slice %arg9[%dma_wait3A_26] : memref<25088xf32, #tpu.memory_space<vmem>> -> memref<6272xf32, #tpu.memory_space<vmem>>
        %dma_wait3A_28 = tpu.memref_slice %arg3[%mul3A_2] : memref<200000xf32, #tpu.memory_space<hbm>> -> memref<6272xf32, #tpu.memory_space<hbm>>
        tpu.wait_dma2 semaphore(%run_scoped3A : memref<!tpu.dma_semaphore, #tpu.memory_space<semaphore_mem>>) src(%dma_wait3A_28 : memref<6272xf32, #tpu.memory_space<hbm>>) dst(%dma_wait3A_27 : memref<6272xf32, #tpu.memory_space<vmem>>)
        tpu.yield
      }) : () -> ()
      "tpu.region"() ({
        %run_scoped3A = tpu.sem_alloc : memref<!tpu.dma_semaphore, #tpu.memory_space<semaphore_mem>>
        %dma_start3A = arith.constant 12544 : i32
        %dma_start3A_19 = tpu.memref_slice %arg9[%dma_start3A] : memref<25088xf32, #tpu.memory_space<vmem>> -> memref<6272xf32, #tpu.memory_space<vmem>>
        %dma_start3A_20 = tpu.memref_slice %arg4[%mul3A_2] : memref<200000xf32, #tpu.memory_space<hbm>> -> memref<6272xf32, #tpu.memory_space<hbm>>
        %dma_start3A_21 = arith.constant 12544 : i32
        %dma_start3A_22 = tpu.memref_slice %arg9[%dma_start3A_21] : memref<25088xf32, #tpu.memory_space<vmem>> -> memref<6272xf32, #tpu.memory_space<vmem>>
        %dma_start3A_23 = tpu.memref_slice %arg4[%mul3A_2] : memref<200000xf32, #tpu.memory_space<hbm>> -> memref<6272xf32, #tpu.memory_space<hbm>>
        tpu.enqueue_dma source(%dma_start3A_23 : memref<6272xf32, #tpu.memory_space<hbm>>) target(%dma_start3A_22 : memref<6272xf32, #tpu.memory_space<vmem>>) target_semaphore(%run_scoped3A : memref<!tpu.dma_semaphore, #tpu.memory_space<semaphore_mem>>)
        %dma_wait3A = arith.constant 12544 : i32
        %dma_wait3A_24 = tpu.memref_slice %arg9[%dma_wait3A] : memref<25088xf32, #tpu.memory_space<vmem>> -> memref<6272xf32, #tpu.memory_space<vmem>>
        %dma_wait3A_25 = tpu.memref_slice %arg4[%mul3A_2] : memref<200000xf32, #tpu.memory_space<hbm>> -> memref<6272xf32, #tpu.memory_space<hbm>>
        %dma_wait3A_26 = arith.constant 12544 : i32
        %dma_wait3A_27 = tpu.memref_slice %arg9[%dma_wait3A_26] : memref<25088xf32, #tpu.memory_space<vmem>> -> memref<6272xf32, #tpu.memory_space<vmem>>
        %dma_wait3A_28 = tpu.memref_slice %arg4[%mul3A_2] : memref<200000xf32, #tpu.memory_space<hbm>> -> memref<6272xf32, #tpu.memory_space<hbm>>
        tpu.wait_dma2 semaphore(%run_scoped3A : memref<!tpu.dma_semaphore, #tpu.memory_space<semaphore_mem>>) src(%dma_wait3A_28 : memref<6272xf32, #tpu.memory_space<hbm>>) dst(%dma_wait3A_27 : memref<6272xf32, #tpu.memory_space<vmem>>)
        tpu.yield
      }) : () -> ()
      "tpu.region"() ({
        %run_scoped3A = tpu.sem_alloc : memref<!tpu.dma_semaphore, #tpu.memory_space<semaphore_mem>>
        %dma_start3A = arith.constant 18816 : i32
        %dma_start3A_19 = tpu.memref_slice %arg9[%dma_start3A] : memref<25088xf32, #tpu.memory_space<vmem>> -> memref<6272xf32, #tpu.memory_space<vmem>>
        %dma_start3A_20 = tpu.memref_slice %arg5[%mul3A_2] : memref<200000xf32, #tpu.memory_space<hbm>> -> memref<6272xf32, #tpu.memory_space<hbm>>
        %dma_start3A_21 = arith.constant 18816 : i32
        %dma_start3A_22 = tpu.memref_slice %arg9[%dma_start3A_21] : memref<25088xf32, #tpu.memory_space<vmem>> -> memref<6272xf32, #tpu.memory_space<vmem>>
        %dma_start3A_23 = tpu.memref_slice %arg5[%mul3A_2] : memref<200000xf32, #tpu.memory_space<hbm>> -> memref<6272xf32, #tpu.memory_space<hbm>>
        tpu.enqueue_dma source(%dma_start3A_23 : memref<6272xf32, #tpu.memory_space<hbm>>) target(%dma_start3A_22 : memref<6272xf32, #tpu.memory_space<vmem>>) target_semaphore(%run_scoped3A : memref<!tpu.dma_semaphore, #tpu.memory_space<semaphore_mem>>)
        %dma_wait3A = arith.constant 18816 : i32
        %dma_wait3A_24 = tpu.memref_slice %arg9[%dma_wait3A] : memref<25088xf32, #tpu.memory_space<vmem>> -> memref<6272xf32, #tpu.memory_space<vmem>>
        %dma_wait3A_25 = tpu.memref_slice %arg5[%mul3A_2] : memref<200000xf32, #tpu.memory_space<hbm>> -> memref<6272xf32, #tpu.memory_space<hbm>>
        %dma_wait3A_26 = arith.constant 18816 : i32
        %dma_wait3A_27 = tpu.memref_slice %arg9[%dma_wait3A_26] : memref<25088xf32, #tpu.memory_space<vmem>> -> memref<6272xf32, #tpu.memory_space<vmem>>
        %dma_wait3A_28 = tpu.memref_slice %arg5[%mul3A_2] : memref<200000xf32, #tpu.memory_space<hbm>> -> memref<6272xf32, #tpu.memory_space<hbm>>
        tpu.wait_dma2 semaphore(%run_scoped3A : memref<!tpu.dma_semaphore, #tpu.memory_space<semaphore_mem>>) src(%dma_wait3A_28 : memref<6272xf32, #tpu.memory_space<hbm>>) dst(%dma_wait3A_27 : memref<6272xf32, #tpu.memory_space<vmem>>)
        tpu.yield
      }) : () -> ()
    } else {
    }
    %convert_element_type3A_6 = arith.extui %eq3A_3 : i1 to i32
    %cond3A_7 = arith.constant 0 : i32
    %cond3A_8 = arith.cmpi ne, %convert_element_type3A_6, %cond3A_7 : i32
    scf.if %cond3A_8 {
      "tpu.region"() ({
        %run_scoped3A = tpu.sem_alloc : memref<!tpu.dma_semaphore, #tpu.memory_space<semaphore_mem>>
        %dma_start3A = arith.constant 0 : i32
        %dma_start3A_19 = tpu.memref_slice %arg9[%dma_start3A] : memref<25088xf32, #tpu.memory_space<vmem>> -> memref<5568xf32, #tpu.memory_space<vmem>>
        %dma_start3A_20 = arith.constant 194432 : i32
        %dma_start3A_21 = tpu.memref_slice %arg2[%dma_start3A_20] : memref<200000xf32, #tpu.memory_space<hbm>> -> memref<5568xf32, #tpu.memory_space<hbm>>
        %dma_start3A_22 = arith.constant 0 : i32
        %dma_start3A_23 = tpu.memref_slice %arg9[%dma_start3A_22] : memref<25088xf32, #tpu.memory_space<vmem>> -> memref<5568xf32, #tpu.memory_space<vmem>>
        %dma_start3A_24 = arith.constant 194432 : i32
        %dma_start3A_25 = tpu.memref_slice %arg2[%dma_start3A_24] : memref<200000xf32, #tpu.memory_space<hbm>> -> memref<5568xf32, #tpu.memory_space<hbm>>
        tpu.enqueue_dma source(%dma_start3A_25 : memref<5568xf32, #tpu.memory_space<hbm>>) target(%dma_start3A_23 : memref<5568xf32, #tpu.memory_space<vmem>>) target_semaphore(%run_scoped3A : memref<!tpu.dma_semaphore, #tpu.memory_space<semaphore_mem>>)
        %dma_wait3A = arith.constant 0 : i32
        %dma_wait3A_26 = tpu.memref_slice %arg9[%dma_wait3A] : memref<25088xf32, #tpu.memory_space<vmem>> -> memref<5568xf32, #tpu.memory_space<vmem>>
        %dma_wait3A_27 = arith.constant 194432 : i32
        %dma_wait3A_28 = tpu.memref_slice %arg2[%dma_wait3A_27] : memref<200000xf32, #tpu.memory_space<hbm>> -> memref<5568xf32, #tpu.memory_space<hbm>>
        %dma_wait3A_29 = arith.constant 0 : i32
        %dma_wait3A_30 = tpu.memref_slice %arg9[%dma_wait3A_29] : memref<25088xf32, #tpu.memory_space<vmem>> -> memref<5568xf32, #tpu.memory_space<vmem>>
        %dma_wait3A_31 = arith.constant 194432 : i32
        %dma_wait3A_32 = tpu.memref_slice %arg2[%dma_wait3A_31] : memref<200000xf32, #tpu.memory_space<hbm>> -> memref<5568xf32, #tpu.memory_space<hbm>>
        tpu.wait_dma2 semaphore(%run_scoped3A : memref<!tpu.dma_semaphore, #tpu.memory_space<semaphore_mem>>) src(%dma_wait3A_32 : memref<5568xf32, #tpu.memory_space<hbm>>) dst(%dma_wait3A_30 : memref<5568xf32, #tpu.memory_space<vmem>>)
        tpu.yield
      }) : () -> ()
      "tpu.region"() ({
        %run_scoped3A = tpu.sem_alloc : memref<!tpu.dma_semaphore, #tpu.memory_space<semaphore_mem>>
        %dma_start3A = arith.constant 6272 : i32
        %dma_start3A_19 = tpu.memref_slice %arg9[%dma_start3A] : memref<25088xf32, #tpu.memory_space<vmem>> -> memref<5568xf32, #tpu.memory_space<vmem>>
        %dma_start3A_20 = arith.constant 194432 : i32
        %dma_start3A_21 = tpu.memref_slice %arg3[%dma_start3A_20] : memref<200000xf32, #tpu.memory_space<hbm>> -> memref<5568xf32, #tpu.memory_space<hbm>>
        %dma_start3A_22 = arith.constant 6272 : i32
        %dma_start3A_23 = tpu.memref_slice %arg9[%dma_start3A_22] : memref<25088xf32, #tpu.memory_space<vmem>> -> memref<5568xf32, #tpu.memory_space<vmem>>
        %dma_start3A_24 = arith.constant 194432 : i32
        %dma_start3A_25 = tpu.memref_slice %arg3[%dma_start3A_24] : memref<200000xf32, #tpu.memory_space<hbm>> -> memref<5568xf32, #tpu.memory_space<hbm>>
        tpu.enqueue_dma source(%dma_start3A_25 : memref<5568xf32, #tpu.memory_space<hbm>>) target(%dma_start3A_23 : memref<5568xf32, #tpu.memory_space<vmem>>) target_semaphore(%run_scoped3A : memref<!tpu.dma_semaphore, #tpu.memory_space<semaphore_mem>>)
        %dma_wait3A = arith.constant 6272 : i32
        %dma_wait3A_26 = tpu.memref_slice %arg9[%dma_wait3A] : memref<25088xf32, #tpu.memory_space<vmem>> -> memref<5568xf32, #tpu.memory_space<vmem>>
        %dma_wait3A_27 = arith.constant 194432 : i32
        %dma_wait3A_28 = tpu.memref_slice %arg3[%dma_wait3A_27] : memref<200000xf32, #tpu.memory_space<hbm>> -> memref<5568xf32, #tpu.memory_space<hbm>>
        %dma_wait3A_29 = arith.constant 6272 : i32
        %dma_wait3A_30 = tpu.memref_slice %arg9[%dma_wait3A_29] : memref<25088xf32, #tpu.memory_space<vmem>> -> memref<5568xf32, #tpu.memory_space<vmem>>
        %dma_wait3A_31 = arith.constant 194432 : i32
        %dma_wait3A_32 = tpu.memref_slice %arg3[%dma_wait3A_31] : memref<200000xf32, #tpu.memory_space<hbm>> -> memref<5568xf32, #tpu.memory_space<hbm>>
        tpu.wait_dma2 semaphore(%run_scoped3A : memref<!tpu.dma_semaphore, #tpu.memory_space<semaphore_mem>>) src(%dma_wait3A_32 : memref<5568xf32, #tpu.memory_space<hbm>>) dst(%dma_wait3A_30 : memref<5568xf32, #tpu.memory_space<vmem>>)
        tpu.yield
      }) : () -> ()
      "tpu.region"() ({
        %run_scoped3A = tpu.sem_alloc : memref<!tpu.dma_semaphore, #tpu.memory_space<semaphore_mem>>
        %dma_start3A = arith.constant 12544 : i32
        %dma_start3A_19 = tpu.memref_slice %arg9[%dma_start3A] : memref<25088xf32, #tpu.memory_space<vmem>> -> memref<5568xf32, #tpu.memory_space<vmem>>
        %dma_start3A_20 = arith.constant 194432 : i32
        %dma_start3A_21 = tpu.memref_slice %arg4[%dma_start3A_20] : memref<200000xf32, #tpu.memory_space<hbm>> -> memref<5568xf32, #tpu.memory_space<hbm>>
        %dma_start3A_22 = arith.constant 12544 : i32
        %dma_start3A_23 = tpu.memref_slice %arg9[%dma_start3A_22] : memref<25088xf32, #tpu.memory_space<vmem>> -> memref<5568xf32, #tpu.memory_space<vmem>>
        %dma_start3A_24 = arith.constant 194432 : i32
        %dma_start3A_25 = tpu.memref_slice %arg4[%dma_start3A_24] : memref<200000xf32, #tpu.memory_space<hbm>> -> memref<5568xf32, #tpu.memory_space<hbm>>
        tpu.enqueue_dma source(%dma_start3A_25 : memref<5568xf32, #tpu.memory_space<hbm>>) target(%dma_start3A_23 : memref<5568xf32, #tpu.memory_space<vmem>>) target_semaphore(%run_scoped3A : memref<!tpu.dma_semaphore, #tpu.memory_space<semaphore_mem>>)
        %dma_wait3A = arith.constant 12544 : i32
        %dma_wait3A_26 = tpu.memref_slice %arg9[%dma_wait3A] : memref<25088xf32, #tpu.memory_space<vmem>> -> memref<5568xf32, #tpu.memory_space<vmem>>
        %dma_wait3A_27 = arith.constant 194432 : i32
        %dma_wait3A_28 = tpu.memref_slice %arg4[%dma_wait3A_27] : memref<200000xf32, #tpu.memory_space<hbm>> -> memref<5568xf32, #tpu.memory_space<hbm>>
        %dma_wait3A_29 = arith.constant 12544 : i32
        %dma_wait3A_30 = tpu.memref_slice %arg9[%dma_wait3A_29] : memref<25088xf32, #tpu.memory_space<vmem>> -> memref<5568xf32, #tpu.memory_space<vmem>>
        %dma_wait3A_31 = arith.constant 194432 : i32
        %dma_wait3A_32 = tpu.memref_slice %arg4[%dma_wait3A_31] : memref<200000xf32, #tpu.memory_space<hbm>> -> memref<5568xf32, #tpu.memory_space<hbm>>
        tpu.wait_dma2 semaphore(%run_scoped3A : memref<!tpu.dma_semaphore, #tpu.memory_space<semaphore_mem>>) src(%dma_wait3A_32 : memref<5568xf32, #tpu.memory_space<hbm>>) dst(%dma_wait3A_30 : memref<5568xf32, #tpu.memory_space<vmem>>)
        tpu.yield
      }) : () -> ()
      "tpu.region"() ({
        %run_scoped3A = tpu.sem_alloc : memref<!tpu.dma_semaphore, #tpu.memory_space<semaphore_mem>>
        %dma_start3A = arith.constant 18816 : i32
        %dma_start3A_19 = tpu.memref_slice %arg9[%dma_start3A] : memref<25088xf32, #tpu.memory_space<vmem>> -> memref<5568xf32, #tpu.memory_space<vmem>>
        %dma_start3A_20 = arith.constant 194432 : i32
        %dma_start3A_21 = tpu.memref_slice %arg5[%dma_start3A_20] : memref<200000xf32, #tpu.memory_space<hbm>> -> memref<5568xf32, #tpu.memory_space<hbm>>
        %dma_start3A_22 = arith.constant 18816 : i32
        %dma_start3A_23 = tpu.memref_slice %arg9[%dma_start3A_22] : memref<25088xf32, #tpu.memory_space<vmem>> -> memref<5568xf32, #tpu.memory_space<vmem>>
        %dma_start3A_24 = arith.constant 194432 : i32
        %dma_start3A_25 = tpu.memref_slice %arg5[%dma_start3A_24] : memref<200000xf32, #tpu.memory_space<hbm>> -> memref<5568xf32, #tpu.memory_space<hbm>>
        tpu.enqueue_dma source(%dma_start3A_25 : memref<5568xf32, #tpu.memory_space<hbm>>) target(%dma_start3A_23 : memref<5568xf32, #tpu.memory_space<vmem>>) target_semaphore(%run_scoped3A : memref<!tpu.dma_semaphore, #tpu.memory_space<semaphore_mem>>)
        %dma_wait3A = arith.constant 18816 : i32
        %dma_wait3A_26 = tpu.memref_slice %arg9[%dma_wait3A] : memref<25088xf32, #tpu.memory_space<vmem>> -> memref<5568xf32, #tpu.memory_space<vmem>>
        %dma_wait3A_27 = arith.constant 194432 : i32
        %dma_wait3A_28 = tpu.memref_slice %arg5[%dma_wait3A_27] : memref<200000xf32, #tpu.memory_space<hbm>> -> memref<5568xf32, #tpu.memory_space<hbm>>
        %dma_wait3A_29 = arith.constant 18816 : i32
        %dma_wait3A_30 = tpu.memref_slice %arg9[%dma_wait3A_29] : memref<25088xf32, #tpu.memory_space<vmem>> -> memref<5568xf32, #tpu.memory_space<vmem>>
        %dma_wait3A_31 = arith.constant 194432 : i32
        %dma_wait3A_32 = tpu.memref_slice %arg5[%dma_wait3A_31] : memref<200000xf32, #tpu.memory_space<hbm>> -> memref<5568xf32, #tpu.memory_space<hbm>>
        tpu.wait_dma2 semaphore(%run_scoped3A : memref<!tpu.dma_semaphore, #tpu.memory_space<semaphore_mem>>) src(%dma_wait3A_32 : memref<5568xf32, #tpu.memory_space<hbm>>) dst(%dma_wait3A_30 : memref<5568xf32, #tpu.memory_space<vmem>>)
        tpu.yield
      }) : () -> ()
    } else {
    }
    "tpu.region"() ({
      %run_scoped3A = tpu.sem_alloc : memref<!tpu.dma_semaphore, #tpu.memory_space<semaphore_mem>>
      tpu.enqueue_dma source(%arg6 : memref<12304xf32, #tpu.memory_space<hbm>>) target(%arg10 : memref<12304xf32, #tpu.memory_space<vmem>>) target_semaphore(%run_scoped3A : memref<!tpu.dma_semaphore, #tpu.memory_space<semaphore_mem>>)
      tpu.wait_dma2 semaphore(%run_scoped3A : memref<!tpu.dma_semaphore, #tpu.memory_space<semaphore_mem>>) src(%arg6 : memref<12304xf32, #tpu.memory_space<hbm>>) dst(%arg10 : memref<12304xf32, #tpu.memory_space<vmem>>)
      tpu.yield
    }) : () -> ()
    %jit3A = arith.constant 348 : i32
    %jit3A_9 = arith.constant 392 : i32
    %select_n3A = arith.select %eq3A_3, %jit3A, %jit3A_9 : i32
    %parallel_loop3A = arith.constant 0 : i32
    %parallel_loop3A_10 = arith.constant 1 : i32
    scf.for %parallel_loop3A_19 = %parallel_loop3A to %select_n3A step %parallel_loop3A_10  : i32 {
      %parallel_loop3A_20 = arith.constant 8 : i32
      %parallel_loop3A_21 = arith.divsi %parallel_loop3A_19, %parallel_loop3A_20 : i32
      %parallel_loop3A_22 = arith.constant 0 : i32
      %parallel_loop3A_23 = arith.cmpi sgt, %parallel_loop3A_19, %parallel_loop3A_22 : i32
      %parallel_loop3A_24 = arith.extui %parallel_loop3A_23 : i1 to i32
      %parallel_loop3A_25 = arith.constant 0 : i32
      %parallel_loop3A_26 = arith.cmpi slt, %parallel_loop3A_19, %parallel_loop3A_25 : i32
      %parallel_loop3A_27 = arith.extui %parallel_loop3A_26 : i1 to i32
      %parallel_loop3A_28 = arith.subi %parallel_loop3A_24, %parallel_loop3A_27 : i32
      %parallel_loop3A_29 = arith.constant 0 : i32
      %parallel_loop3A_30 = arith.cmpi sgt, %parallel_loop3A_20, %parallel_loop3A_29 : i32
      %parallel_loop3A_31 = arith.extui %parallel_loop3A_30 : i1 to i32
      %parallel_loop3A_32 = arith.constant 0 : i32
      %parallel_loop3A_33 = arith.cmpi slt, %parallel_loop3A_20, %parallel_loop3A_32 : i32
      %parallel_loop3A_34 = arith.extui %parallel_loop3A_33 : i1 to i32
      %parallel_loop3A_35 = arith.subi %parallel_loop3A_31, %parallel_loop3A_34 : i32
      %parallel_loop3A_36 = arith.cmpi ne, %parallel_loop3A_28, %parallel_loop3A_35 : i32
      %parallel_loop3A_37 = arith.remsi %parallel_loop3A_19, %parallel_loop3A_20 : i32
      %parallel_loop3A_38 = arith.constant 0 : i32
      %parallel_loop3A_39 = arith.cmpi ne, %parallel_loop3A_37, %parallel_loop3A_38 : i32
      %parallel_loop3A_40 = arith.andi %parallel_loop3A_36, %parallel_loop3A_39 : i1
      %parallel_loop3A_41 = arith.constant 1 : i32
      %parallel_loop3A_42 = arith.subi %parallel_loop3A_21, %parallel_loop3A_41 : i32
      %parallel_loop3A_43 = arith.select %parallel_loop3A_40, %parallel_loop3A_42, %parallel_loop3A_21 : i32
      %parallel_loop3A_44 = arith.constant 512 : i32
      %parallel_loop3A_45 = arith.muli %parallel_loop3A_43, %parallel_loop3A_44 : i32
      %parallel_loop3A_46 = arith.constant 8 : i32
      %parallel_loop3A_47 = arith.constant 0 : i32
      %parallel_loop3A_48 = arith.cmpi eq, %parallel_loop3A_46, %parallel_loop3A_47 : i32
      %parallel_loop3A_49 = arith.constant 1 : i32
      %parallel_loop3A_50 = arith.select %parallel_loop3A_48, %parallel_loop3A_49, %parallel_loop3A_46 : i32
      %parallel_loop3A_51 = arith.remsi %parallel_loop3A_19, %parallel_loop3A_50 : i32
      %parallel_loop3A_52 = arith.constant 0 : i32
      %parallel_loop3A_53 = arith.cmpi ne, %parallel_loop3A_51, %parallel_loop3A_52 : i32
      %parallel_loop3A_54 = arith.constant 0 : i32
      %parallel_loop3A_55 = arith.cmpi slt, %parallel_loop3A_51, %parallel_loop3A_54 : i32
      %parallel_loop3A_56 = arith.constant 0 : i32
      %parallel_loop3A_57 = arith.cmpi slt, %parallel_loop3A_50, %parallel_loop3A_56 : i32
      %parallel_loop3A_58 = arith.xori %parallel_loop3A_55, %parallel_loop3A_57 : i1
      %parallel_loop3A_59 = arith.andi %parallel_loop3A_58, %parallel_loop3A_53 : i1
      %parallel_loop3A_60 = arith.addi %parallel_loop3A_51, %parallel_loop3A_50 : i32
      %parallel_loop3A_61 = arith.select %parallel_loop3A_59, %parallel_loop3A_60, %parallel_loop3A_51 : i32
      %parallel_loop3A_62 = arith.constant 16 : i32
      %parallel_loop3A_63 = arith.muli %parallel_loop3A_61, %parallel_loop3A_62 : i32
      %parallel_loop3A_64 = arith.addi %parallel_loop3A_45, %parallel_loop3A_63 : i32
      %parallel_loop3A_65 = arith.constant 0.000000e+00 : f32
      %parallel_loop3A_66 = vector.broadcast %parallel_loop3A_65 : f32 to vector<16xf32>
      %parallel_loop3A_67 = arith.constant 16 : i32
      %parallel_loop3A_68 = arith.muli %parallel_loop3A_19, %parallel_loop3A_67 : i32
      %parallel_loop3A_69 = arith.constant 0 : i32
      %parallel_loop3A_70 = arith.addi %parallel_loop3A_69, %parallel_loop3A_68 : i32
      %parallel_loop3A_71 = arith.index_cast %parallel_loop3A_70 : i32 to index
      %parallel_loop3A_72 = tpu.vector_load %arg9[%parallel_loop3A_71] {strides = array<i32>} : memref<25088xf32, #tpu.memory_space<vmem>>, vector<16xf32>,
      %parallel_loop3A_73 = arith.constant -0.999899983 : f32
      %parallel_loop3A_74 = arith.constant 0.999899983 : f32
      %parallel_loop3A_75 = vector.broadcast %parallel_loop3A_73 : f32 to vector<16xf32>
      %parallel_loop3A_76 = arith.maximumf %parallel_loop3A_75, %parallel_loop3A_72 : vector<16xf32>
      %parallel_loop3A_77 = vector.broadcast %parallel_loop3A_74 : f32 to vector<16xf32>
      %parallel_loop3A_78 = arith.minimumf %parallel_loop3A_77, %parallel_loop3A_76 : vector<16xf32>
      %parallel_loop3A_79 = arith.constant 1.000000e+00 : f32
      %parallel_loop3A_80 = vector.broadcast %parallel_loop3A_79 : f32 to vector<16xf32>
      %parallel_loop3A_81 = arith.addf %parallel_loop3A_78, %parallel_loop3A_80 : vector<16xf32>
      %parallel_loop3A_82 = arith.constant 5.120000e+02 : f32
      %parallel_loop3A_83 = vector.broadcast %parallel_loop3A_82 : f32 to vector<16xf32>
      %parallel_loop3A_84 = arith.mulf %parallel_loop3A_81, %parallel_loop3A_83 : vector<16xf32>
      %parallel_loop3A_85 = arith.fptosi %parallel_loop3A_84 : vector<16xf32> to vector<16xi32>
      %parallel_loop3A_86 = arith.sitofp %parallel_loop3A_85 : vector<16xi32> to vector<16xf32>
      %parallel_loop3A_87 = arith.subf %parallel_loop3A_84, %parallel_loop3A_86 : vector<16xf32>
      %parallel_loop3A_88 = arith.constant 12 : i32
      %parallel_loop3A_89 = vector.broadcast %parallel_loop3A_88 : i32 to vector<16xi32>
      %parallel_loop3A_90 = arith.muli %parallel_loop3A_85, %parallel_loop3A_89 : vector<16xi32>
      %parallel_loop3A_91 = arith.constant 0 : i32
      %parallel_loop3A_92 = vector.broadcast %parallel_loop3A_91 : i32 to vector<16xi32>
      %parallel_loop3A_93 = arith.addi %parallel_loop3A_90, %parallel_loop3A_92 : vector<16xi32>
      %parallel_loop3A_94 = arith.constant 0 : i32
      %parallel_loop3A_95 = vector.broadcast %parallel_loop3A_94 : i32 to vector<16xi32>
      %parallel_loop3A_96 = arith.addi %parallel_loop3A_93, %parallel_loop3A_95 : vector<16xi32>
      %parallel_loop3A_97 = tpu.vector_load_idx %arg10[%parallel_loop3A_96] : memref<12304xf32, #tpu.memory_space<vmem>>[vector<16xi32>], vector<16xf32>,
      %parallel_loop3A_98 = arith.constant 12 : i32
      %parallel_loop3A_99 = vector.broadcast %parallel_loop3A_98 : i32 to vector<16xi32>
      %parallel_loop3A_100 = arith.addi %parallel_loop3A_93, %parallel_loop3A_99 : vector<16xi32>
      %parallel_loop3A_101 = tpu.vector_load_idx %arg10[%parallel_loop3A_100] : memref<12304xf32, #tpu.memory_space<vmem>>[vector<16xi32>], vector<16xf32>,
      %parallel_loop3A_102 = arith.subf %parallel_loop3A_101, %parallel_loop3A_97 : vector<16xf32>
      %parallel_loop3A_103 = arith.mulf %parallel_loop3A_87, %parallel_loop3A_102 : vector<16xf32>
      %parallel_loop3A_104 = arith.addf %parallel_loop3A_97, %parallel_loop3A_103 : vector<16xf32>
      %parallel_loop3A_105 = arith.constant 1 : i32
      %parallel_loop3A_106 = vector.broadcast %parallel_loop3A_105 : i32 to vector<16xi32>
      %parallel_loop3A_107 = arith.addi %parallel_loop3A_93, %parallel_loop3A_106 : vector<16xi32>
      %parallel_loop3A_108 = tpu.vector_load_idx %arg10[%parallel_loop3A_107] : memref<12304xf32, #tpu.memory_space<vmem>>[vector<16xi32>], vector<16xf32>,
      %parallel_loop3A_109 = arith.constant 13 : i32
      %parallel_loop3A_110 = vector.broadcast %parallel_loop3A_109 : i32 to vector<16xi32>
      %parallel_loop3A_111 = arith.addi %parallel_loop3A_93, %parallel_loop3A_110 : vector<16xi32>
      %parallel_loop3A_112 = tpu.vector_load_idx %arg10[%parallel_loop3A_111] : memref<12304xf32, #tpu.memory_space<vmem>>[vector<16xi32>], vector<16xf32>,
      %parallel_loop3A_113 = arith.subf %parallel_loop3A_112, %parallel_loop3A_108 : vector<16xf32>
      %parallel_loop3A_114 = arith.mulf %parallel_loop3A_87, %parallel_loop3A_113 : vector<16xf32>
      %parallel_loop3A_115 = arith.addf %parallel_loop3A_108, %parallel_loop3A_114 : vector<16xf32>
      %parallel_loop3A_116 = arith.constant 2 : i32
      %parallel_loop3A_117 = vector.broadcast %parallel_loop3A_116 : i32 to vector<16xi32>
      %parallel_loop3A_118 = arith.addi %parallel_loop3A_93, %parallel_loop3A_117 : vector<16xi32>
      %parallel_loop3A_119 = tpu.vector_load_idx %arg10[%parallel_loop3A_118] : memref<12304xf32, #tpu.memory_space<vmem>>[vector<16xi32>], vector<16xf32>,
      %parallel_loop3A_120 = arith.constant 14 : i32
      %parallel_loop3A_121 = vector.broadcast %parallel_loop3A_120 : i32 to vector<16xi32>
      %parallel_loop3A_122 = arith.addi %parallel_loop3A_93, %parallel_loop3A_121 : vector<16xi32>
      %parallel_loop3A_123 = tpu.vector_load_idx %arg10[%parallel_loop3A_122] : memref<12304xf32, #tpu.memory_space<vmem>>[vector<16xi32>], vector<16xf32>,
      %parallel_loop3A_124 = arith.subf %parallel_loop3A_123, %parallel_loop3A_119 : vector<16xf32>
      %parallel_loop3A_125 = arith.mulf %parallel_loop3A_87, %parallel_loop3A_124 : vector<16xf32>
      %parallel_loop3A_126 = arith.addf %parallel_loop3A_119, %parallel_loop3A_125 : vector<16xf32>
      %parallel_loop3A_127 = arith.constant 1.000000e+00 : f32
      %parallel_loop3A_128 = vector.broadcast %parallel_loop3A_127 : f32 to vector<16xf32>
      %parallel_loop3A_129 = arith.divf %parallel_loop3A_128, %parallel_loop3A_104 : vector<16xf32>
      %parallel_loop3A_130 = arith.mulf %parallel_loop3A_115, %parallel_loop3A_129 : vector<16xf32>
      %parallel_loop3A_131 = arith.mulf %parallel_loop3A_78, %parallel_loop3A_130 : vector<16xf32>
      %parallel_loop3A_132 = arith.mulf %parallel_loop3A_126, %parallel_loop3A_129 : vector<16xf32>
      %parallel_loop3A_133 = arith.addf %parallel_loop3A_131, %parallel_loop3A_132 : vector<16xf32>
      %parallel_loop3A_134 = arith.constant 5.000000e-01 : f32
      %parallel_loop3A_135 = vector.broadcast %parallel_loop3A_134 : f32 to vector<16xf32>
      %parallel_loop3A_136 = arith.mulf %parallel_loop3A_135, %parallel_loop3A_78 : vector<16xf32>
      %parallel_loop3A_137 = arith.mulf %parallel_loop3A_136, %parallel_loop3A_78 : vector<16xf32>
      %parallel_loop3A_138 = arith.subf %parallel_loop3A_133, %parallel_loop3A_137 : vector<16xf32>
      %parallel_loop3A_139 = arith.addf %parallel_loop3A_66, %parallel_loop3A_138 : vector<16xf32>
      %parallel_loop3A_140 = arith.constant 0 : i32
      %parallel_loop3A_141 = arith.addi %parallel_loop3A_64, %parallel_loop3A_140 : i32
      %parallel_loop3A_142 = arith.index_cast %parallel_loop3A_141 : i32 to index
      %parallel_loop3A_143 = tpu.vector_load %arg11[%parallel_loop3A_142] {strides = array<i32>} : memref<25088xf32, #tpu.memory_space<vmem>>, vector<16xf32>,
      tpu.vector_store %arg11[%parallel_loop3A_142], %parallel_loop3A_130 {strides = array<i32>} : memref<25088xf32, #tpu.memory_space<vmem>>, vector<16xf32>,
      %parallel_loop3A_144 = arith.constant 16 : i32
      %parallel_loop3A_145 = arith.muli %parallel_loop3A_19, %parallel_loop3A_144 : i32
      %parallel_loop3A_146 = arith.constant 6272 : i32
      %parallel_loop3A_147 = arith.addi %parallel_loop3A_146, %parallel_loop3A_145 : i32
      %parallel_loop3A_148 = arith.index_cast %parallel_loop3A_147 : i32 to index
      %parallel_loop3A_149 = tpu.vector_load %arg9[%parallel_loop3A_148] {strides = array<i32>} : memref<25088xf32, #tpu.memory_space<vmem>>, vector<16xf32>,
      %parallel_loop3A_150 = arith.constant -0.999899983 : f32
      %parallel_loop3A_151 = arith.constant 0.999899983 : f32
      %parallel_loop3A_152 = vector.broadcast %parallel_loop3A_150 : f32 to vector<16xf32>
      %parallel_loop3A_153 = arith.maximumf %parallel_loop3A_152, %parallel_loop3A_149 : vector<16xf32>
      %parallel_loop3A_154 = vector.broadcast %parallel_loop3A_151 : f32 to vector<16xf32>
      %parallel_loop3A_155 = arith.minimumf %parallel_loop3A_154, %parallel_loop3A_153 : vector<16xf32>
      %parallel_loop3A_156 = arith.constant 1.000000e+00 : f32
      %parallel_loop3A_157 = vector.broadcast %parallel_loop3A_156 : f32 to vector<16xf32>
      %parallel_loop3A_158 = arith.addf %parallel_loop3A_155, %parallel_loop3A_157 : vector<16xf32>
      %parallel_loop3A_159 = arith.constant 5.120000e+02 : f32
      %parallel_loop3A_160 = vector.broadcast %parallel_loop3A_159 : f32 to vector<16xf32>
      %parallel_loop3A_161 = arith.mulf %parallel_loop3A_158, %parallel_loop3A_160 : vector<16xf32>
      %parallel_loop3A_162 = arith.fptosi %parallel_loop3A_161 : vector<16xf32> to vector<16xi32>
      %parallel_loop3A_163 = arith.sitofp %parallel_loop3A_162 : vector<16xi32> to vector<16xf32>
      %parallel_loop3A_164 = arith.subf %parallel_loop3A_161, %parallel_loop3A_163 : vector<16xf32>
      %parallel_loop3A_165 = arith.constant 12 : i32
      %parallel_loop3A_166 = vector.broadcast %parallel_loop3A_165 : i32 to vector<16xi32>
      %parallel_loop3A_167 = arith.muli %parallel_loop3A_162, %parallel_loop3A_166 : vector<16xi32>
      %parallel_loop3A_168 = arith.constant 3 : i32
      %parallel_loop3A_169 = vector.broadcast %parallel_loop3A_168 : i32 to vector<16xi32>
      %parallel_loop3A_170 = arith.addi %parallel_loop3A_167, %parallel_loop3A_169 : vector<16xi32>
      %parallel_loop3A_171 = arith.constant 0 : i32
      %parallel_loop3A_172 = vector.broadcast %parallel_loop3A_171 : i32 to vector<16xi32>
      %parallel_loop3A_173 = arith.addi %parallel_loop3A_170, %parallel_loop3A_172 : vector<16xi32>
      %parallel_loop3A_174 = tpu.vector_load_idx %arg10[%parallel_loop3A_173] : memref<12304xf32, #tpu.memory_space<vmem>>[vector<16xi32>], vector<16xf32>,
      %parallel_loop3A_175 = arith.constant 12 : i32
      %parallel_loop3A_176 = vector.broadcast %parallel_loop3A_175 : i32 to vector<16xi32>
      %parallel_loop3A_177 = arith.addi %parallel_loop3A_170, %parallel_loop3A_176 : vector<16xi32>
      %parallel_loop3A_178 = tpu.vector_load_idx %arg10[%parallel_loop3A_177] : memref<12304xf32, #tpu.memory_space<vmem>>[vector<16xi32>], vector<16xf32>,
      %parallel_loop3A_179 = arith.subf %parallel_loop3A_178, %parallel_loop3A_174 : vector<16xf32>
      %parallel_loop3A_180 = arith.mulf %parallel_loop3A_164, %parallel_loop3A_179 : vector<16xf32>
      %parallel_loop3A_181 = arith.addf %parallel_loop3A_174, %parallel_loop3A_180 : vector<16xf32>
      %parallel_loop3A_182 = arith.constant 1 : i32
      %parallel_loop3A_183 = vector.broadcast %parallel_loop3A_182 : i32 to vector<16xi32>
      %parallel_loop3A_184 = arith.addi %parallel_loop3A_170, %parallel_loop3A_183 : vector<16xi32>
      %parallel_loop3A_185 = tpu.vector_load_idx %arg10[%parallel_loop3A_184] : memref<12304xf32, #tpu.memory_space<vmem>>[vector<16xi32>], vector<16xf32>,
      %parallel_loop3A_186 = arith.constant 13 : i32
      %parallel_loop3A_187 = vector.broadcast %parallel_loop3A_186 : i32 to vector<16xi32>
      %parallel_loop3A_188 = arith.addi %parallel_loop3A_170, %parallel_loop3A_187 : vector<16xi32>
      %parallel_loop3A_189 = tpu.vector_load_idx %arg10[%parallel_loop3A_188] : memref<12304xf32, #tpu.memory_space<vmem>>[vector<16xi32>], vector<16xf32>,
      %parallel_loop3A_190 = arith.subf %parallel_loop3A_189, %parallel_loop3A_185 : vector<16xf32>
      %parallel_loop3A_191 = arith.mulf %parallel_loop3A_164, %parallel_loop3A_190 : vector<16xf32>
      %parallel_loop3A_192 = arith.addf %parallel_loop3A_185, %parallel_loop3A_191 : vector<16xf32>
      %parallel_loop3A_193 = arith.constant 2 : i32
      %parallel_loop3A_194 = vector.broadcast %parallel_loop3A_193 : i32 to vector<16xi32>
      %parallel_loop3A_195 = arith.addi %parallel_loop3A_170, %parallel_loop3A_194 : vector<16xi32>
      %parallel_loop3A_196 = tpu.vector_load_idx %arg10[%parallel_loop3A_195] : memref<12304xf32, #tpu.memory_space<vmem>>[vector<16xi32>], vector<16xf32>,
      %parallel_loop3A_197 = arith.constant 14 : i32
      %parallel_loop3A_198 = vector.broadcast %parallel_loop3A_197 : i32 to vector<16xi32>
      %parallel_loop3A_199 = arith.addi %parallel_loop3A_170, %parallel_loop3A_198 : vector<16xi32>
      %parallel_loop3A_200 = tpu.vector_load_idx %arg10[%parallel_loop3A_199] : memref<12304xf32, #tpu.memory_space<vmem>>[vector<16xi32>], vector<16xf32>,
      %parallel_loop3A_201 = arith.subf %parallel_loop3A_200, %parallel_loop3A_196 : vector<16xf32>
      %parallel_loop3A_202 = arith.mulf %parallel_loop3A_164, %parallel_loop3A_201 : vector<16xf32>
      %parallel_loop3A_203 = arith.addf %parallel_loop3A_196, %parallel_loop3A_202 : vector<16xf32>
      %parallel_loop3A_204 = arith.constant 1.000000e+00 : f32
      %parallel_loop3A_205 = vector.broadcast %parallel_loop3A_204 : f32 to vector<16xf32>
      %parallel_loop3A_206 = arith.divf %parallel_loop3A_205, %parallel_loop3A_181 : vector<16xf32>
      %parallel_loop3A_207 = arith.mulf %parallel_loop3A_192, %parallel_loop3A_206 : vector<16xf32>
      %parallel_loop3A_208 = arith.mulf %parallel_loop3A_155, %parallel_loop3A_207 : vector<16xf32>
      %parallel_loop3A_209 = arith.mulf %parallel_loop3A_203, %parallel_loop3A_206 : vector<16xf32>
      %parallel_loop3A_210 = arith.addf %parallel_loop3A_208, %parallel_loop3A_209 : vector<16xf32>
      %parallel_loop3A_211 = arith.constant 5.000000e-01 : f32
      %parallel_loop3A_212 = vector.broadcast %parallel_loop3A_211 : f32 to vector<16xf32>
      %parallel_loop3A_213 = arith.mulf %parallel_loop3A_212, %parallel_loop3A_155 : vector<16xf32>
      %parallel_loop3A_214 = arith.mulf %parallel_loop3A_213, %parallel_loop3A_155 : vector<16xf32>
      %parallel_loop3A_215 = arith.subf %parallel_loop3A_210, %parallel_loop3A_214 : vector<16xf32>
      %parallel_loop3A_216 = arith.addf %parallel_loop3A_139, %parallel_loop3A_215 : vector<16xf32>
      %parallel_loop3A_217 = arith.constant 128 : i32
      %parallel_loop3A_218 = arith.addi %parallel_loop3A_64, %parallel_loop3A_217 : i32
      %parallel_loop3A_219 = arith.index_cast %parallel_loop3A_218 : i32 to index
      %parallel_loop3A_220 = tpu.vector_load %arg11[%parallel_loop3A_219] {strides = array<i32>} : memref<25088xf32, #tpu.memory_space<vmem>>, vector<16xf32>,
      tpu.vector_store %arg11[%parallel_loop3A_219], %parallel_loop3A_207 {strides = array<i32>} : memref<25088xf32, #tpu.memory_space<vmem>>, vector<16xf32>,
      %parallel_loop3A_221 = arith.constant 16 : i32
      %parallel_loop3A_222 = arith.muli %parallel_loop3A_19, %parallel_loop3A_221 : i32
      %parallel_loop3A_223 = arith.constant 12544 : i32
      %parallel_loop3A_224 = arith.addi %parallel_loop3A_223, %parallel_loop3A_222 : i32
      %parallel_loop3A_225 = arith.index_cast %parallel_loop3A_224 : i32 to index
      %parallel_loop3A_226 = tpu.vector_load %arg9[%parallel_loop3A_225] {strides = array<i32>} : memref<25088xf32, #tpu.memory_space<vmem>>, vector<16xf32>,
      %parallel_loop3A_227 = arith.constant -0.999899983 : f32
      %parallel_loop3A_228 = arith.constant 0.999899983 : f32
      %parallel_loop3A_229 = vector.broadcast %parallel_loop3A_227 : f32 to vector<16xf32>
      %parallel_loop3A_230 = arith.maximumf %parallel_loop3A_229, %parallel_loop3A_226 : vector<16xf32>
      %parallel_loop3A_231 = vector.broadcast %parallel_loop3A_228 : f32 to vector<16xf32>
      %parallel_loop3A_232 = arith.minimumf %parallel_loop3A_231, %parallel_loop3A_230 : vector<16xf32>
      %parallel_loop3A_233 = arith.constant 1.000000e+00 : f32
      %parallel_loop3A_234 = vector.broadcast %parallel_loop3A_233 : f32 to vector<16xf32>
      %parallel_loop3A_235 = arith.addf %parallel_loop3A_232, %parallel_loop3A_234 : vector<16xf32>
      %parallel_loop3A_236 = arith.constant 5.120000e+02 : f32
      %parallel_loop3A_237 = vector.broadcast %parallel_loop3A_236 : f32 to vector<16xf32>
      %parallel_loop3A_238 = arith.mulf %parallel_loop3A_235, %parallel_loop3A_237 : vector<16xf32>
      %parallel_loop3A_239 = arith.fptosi %parallel_loop3A_238 : vector<16xf32> to vector<16xi32>
      %parallel_loop3A_240 = arith.sitofp %parallel_loop3A_239 : vector<16xi32> to vector<16xf32>
      %parallel_loop3A_241 = arith.subf %parallel_loop3A_238, %parallel_loop3A_240 : vector<16xf32>
      %parallel_loop3A_242 = arith.constant 12 : i32
      %parallel_loop3A_243 = vector.broadcast %parallel_loop3A_242 : i32 to vector<16xi32>
      %parallel_loop3A_244 = arith.muli %parallel_loop3A_239, %parallel_loop3A_243 : vector<16xi32>
      %parallel_loop3A_245 = arith.constant 6 : i32
      %parallel_loop3A_246 = vector.broadcast %parallel_loop3A_245 : i32 to vector<16xi32>
      %parallel_loop3A_247 = arith.addi %parallel_loop3A_244, %parallel_loop3A_246 : vector<16xi32>
      %parallel_loop3A_248 = arith.constant 0 : i32
      %parallel_loop3A_249 = vector.broadcast %parallel_loop3A_248 : i32 to vector<16xi32>
      %parallel_loop3A_250 = arith.addi %parallel_loop3A_247, %parallel_loop3A_249 : vector<16xi32>
      %parallel_loop3A_251 = tpu.vector_load_idx %arg10[%parallel_loop3A_250] : memref<12304xf32, #tpu.memory_space<vmem>>[vector<16xi32>], vector<16xf32>,
      %parallel_loop3A_252 = arith.constant 12 : i32
      %parallel_loop3A_253 = vector.broadcast %parallel_loop3A_252 : i32 to vector<16xi32>
      %parallel_loop3A_254 = arith.addi %parallel_loop3A_247, %parallel_loop3A_253 : vector<16xi32>
      %parallel_loop3A_255 = tpu.vector_load_idx %arg10[%parallel_loop3A_254] : memref<12304xf32, #tpu.memory_space<vmem>>[vector<16xi32>], vector<16xf32>,
      %parallel_loop3A_256 = arith.subf %parallel_loop3A_255, %parallel_loop3A_251 : vector<16xf32>
      %parallel_loop3A_257 = arith.mulf %parallel_loop3A_241, %parallel_loop3A_256 : vector<16xf32>
      %parallel_loop3A_258 = arith.addf %parallel_loop3A_251, %parallel_loop3A_257 : vector<16xf32>
      %parallel_loop3A_259 = arith.constant 1 : i32
      %parallel_loop3A_260 = vector.broadcast %parallel_loop3A_259 : i32 to vector<16xi32>
      %parallel_loop3A_261 = arith.addi %parallel_loop3A_247, %parallel_loop3A_260 : vector<16xi32>
      %parallel_loop3A_262 = tpu.vector_load_idx %arg10[%parallel_loop3A_261] : memref<12304xf32, #tpu.memory_space<vmem>>[vector<16xi32>], vector<16xf32>,
      %parallel_loop3A_263 = arith.constant 13 : i32
      %parallel_loop3A_264 = vector.broadcast %parallel_loop3A_263 : i32 to vector<16xi32>
      %parallel_loop3A_265 = arith.addi %parallel_loop3A_247, %parallel_loop3A_264 : vector<16xi32>
      %parallel_loop3A_266 = tpu.vector_load_idx %arg10[%parallel_loop3A_265] : memref<12304xf32, #tpu.memory_space<vmem>>[vector<16xi32>], vector<16xf32>,
      %parallel_loop3A_267 = arith.subf %parallel_loop3A_266, %parallel_loop3A_262 : vector<16xf32>
      %parallel_loop3A_268 = arith.mulf %parallel_loop3A_241, %parallel_loop3A_267 : vector<16xf32>
      %parallel_loop3A_269 = arith.addf %parallel_loop3A_262, %parallel_loop3A_268 : vector<16xf32>
      %parallel_loop3A_270 = arith.constant 2 : i32
      %parallel_loop3A_271 = vector.broadcast %parallel_loop3A_270 : i32 to vector<16xi32>
      %parallel_loop3A_272 = arith.addi %parallel_loop3A_247, %parallel_loop3A_271 : vector<16xi32>
      %parallel_loop3A_273 = tpu.vector_load_idx %arg10[%parallel_loop3A_272] : memref<12304xf32, #tpu.memory_space<vmem>>[vector<16xi32>], vector<16xf32>,
      %parallel_loop3A_274 = arith.constant 14 : i32
      %parallel_loop3A_275 = vector.broadcast %parallel_loop3A_274 : i32 to vector<16xi32>
      %parallel_loop3A_276 = arith.addi %parallel_loop3A_247, %parallel_loop3A_275 : vector<16xi32>
      %parallel_loop3A_277 = tpu.vector_load_idx %arg10[%parallel_loop3A_276] : memref<12304xf32, #tpu.memory_space<vmem>>[vector<16xi32>], vector<16xf32>,
      %parallel_loop3A_278 = arith.subf %parallel_loop3A_277, %parallel_loop3A_273 : vector<16xf32>
      %parallel_loop3A_279 = arith.mulf %parallel_loop3A_241, %parallel_loop3A_278 : vector<16xf32>
      %parallel_loop3A_280 = arith.addf %parallel_loop3A_273, %parallel_loop3A_279 : vector<16xf32>
      %parallel_loop3A_281 = arith.constant 1.000000e+00 : f32
      %parallel_loop3A_282 = vector.broadcast %parallel_loop3A_281 : f32 to vector<16xf32>
      %parallel_loop3A_283 = arith.divf %parallel_loop3A_282, %parallel_loop3A_258 : vector<16xf32>
      %parallel_loop3A_284 = arith.mulf %parallel_loop3A_269, %parallel_loop3A_283 : vector<16xf32>
      %parallel_loop3A_285 = arith.mulf %parallel_loop3A_232, %parallel_loop3A_284 : vector<16xf32>
      %parallel_loop3A_286 = arith.mulf %parallel_loop3A_280, %parallel_loop3A_283 : vector<16xf32>
      %parallel_loop3A_287 = arith.addf %parallel_loop3A_285, %parallel_loop3A_286 : vector<16xf32>
      %parallel_loop3A_288 = arith.constant 5.000000e-01 : f32
      %parallel_loop3A_289 = vector.broadcast %parallel_loop3A_288 : f32 to vector<16xf32>
      %parallel_loop3A_290 = arith.mulf %parallel_loop3A_289, %parallel_loop3A_232 : vector<16xf32>
      %parallel_loop3A_291 = arith.mulf %parallel_loop3A_290, %parallel_loop3A_232 : vector<16xf32>
      %parallel_loop3A_292 = arith.subf %parallel_loop3A_287, %parallel_loop3A_291 : vector<16xf32>
      %parallel_loop3A_293 = arith.addf %parallel_loop3A_216, %parallel_loop3A_292 : vector<16xf32>
      %parallel_loop3A_294 = arith.constant 256 : i32
      %parallel_loop3A_295 = arith.addi %parallel_loop3A_64, %parallel_loop3A_294 : i32
      %parallel_loop3A_296 = arith.index_cast %parallel_loop3A_295 : i32 to index
      %parallel_loop3A_297 = tpu.vector_load %arg11[%parallel_loop3A_296] {strides = array<i32>} : memref<25088xf32, #tpu.memory_space<vmem>>, vector<16xf32>,
      tpu.vector_store %arg11[%parallel_loop3A_296], %parallel_loop3A_284 {strides = array<i32>} : memref<25088xf32, #tpu.memory_space<vmem>>, vector<16xf32>,
      %parallel_loop3A_298 = arith.constant 16 : i32
      %parallel_loop3A_299 = arith.muli %parallel_loop3A_19, %parallel_loop3A_298 : i32
      %parallel_loop3A_300 = arith.constant 18816 : i32
      %parallel_loop3A_301 = arith.addi %parallel_loop3A_300, %parallel_loop3A_299 : i32
      %parallel_loop3A_302 = arith.index_cast %parallel_loop3A_301 : i32 to index
      %parallel_loop3A_303 = tpu.vector_load %arg9[%parallel_loop3A_302] {strides = array<i32>} : memref<25088xf32, #tpu.memory_space<vmem>>, vector<16xf32>,
      %parallel_loop3A_304 = arith.constant -0.999899983 : f32
      %parallel_loop3A_305 = arith.constant 0.999899983 : f32
      %parallel_loop3A_306 = vector.broadcast %parallel_loop3A_304 : f32 to vector<16xf32>
      %parallel_loop3A_307 = arith.maximumf %parallel_loop3A_306, %parallel_loop3A_303 : vector<16xf32>
      %parallel_loop3A_308 = vector.broadcast %parallel_loop3A_305 : f32 to vector<16xf32>
      %parallel_loop3A_309 = arith.minimumf %parallel_loop3A_308, %parallel_loop3A_307 : vector<16xf32>
      %parallel_loop3A_310 = arith.constant 1.000000e+00 : f32
      %parallel_loop3A_311 = vector.broadcast %parallel_loop3A_310 : f32 to vector<16xf32>
      %parallel_loop3A_312 = arith.addf %parallel_loop3A_309, %parallel_loop3A_311 : vector<16xf32>
      %parallel_loop3A_313 = arith.constant 5.120000e+02 : f32
      %parallel_loop3A_314 = vector.broadcast %parallel_loop3A_313 : f32 to vector<16xf32>
      %parallel_loop3A_315 = arith.mulf %parallel_loop3A_312, %parallel_loop3A_314 : vector<16xf32>
      %parallel_loop3A_316 = arith.fptosi %parallel_loop3A_315 : vector<16xf32> to vector<16xi32>
      %parallel_loop3A_317 = arith.sitofp %parallel_loop3A_316 : vector<16xi32> to vector<16xf32>
      %parallel_loop3A_318 = arith.subf %parallel_loop3A_315, %parallel_loop3A_317 : vector<16xf32>
      %parallel_loop3A_319 = arith.constant 12 : i32
      %parallel_loop3A_320 = vector.broadcast %parallel_loop3A_319 : i32 to vector<16xi32>
      %parallel_loop3A_321 = arith.muli %parallel_loop3A_316, %parallel_loop3A_320 : vector<16xi32>
      %parallel_loop3A_322 = arith.constant 9 : i32
      %parallel_loop3A_323 = vector.broadcast %parallel_loop3A_322 : i32 to vector<16xi32>
      %parallel_loop3A_324 = arith.addi %parallel_loop3A_321, %parallel_loop3A_323 : vector<16xi32>
      %parallel_loop3A_325 = arith.constant 0 : i32
      %parallel_loop3A_326 = vector.broadcast %parallel_loop3A_325 : i32 to vector<16xi32>
      %parallel_loop3A_327 = arith.addi %parallel_loop3A_324, %parallel_loop3A_326 : vector<16xi32>
      %parallel_loop3A_328 = tpu.vector_load_idx %arg10[%parallel_loop3A_327] : memref<12304xf32, #tpu.memory_space<vmem>>[vector<16xi32>], vector<16xf32>,
      %parallel_loop3A_329 = arith.constant 12 : i32
      %parallel_loop3A_330 = vector.broadcast %parallel_loop3A_329 : i32 to vector<16xi32>
      %parallel_loop3A_331 = arith.addi %parallel_loop3A_324, %parallel_loop3A_330 : vector<16xi32>
      %parallel_loop3A_332 = tpu.vector_load_idx %arg10[%parallel_loop3A_331] : memref<12304xf32, #tpu.memory_space<vmem>>[vector<16xi32>], vector<16xf32>,
      %parallel_loop3A_333 = arith.subf %parallel_loop3A_332, %parallel_loop3A_328 : vector<16xf32>
      %parallel_loop3A_334 = arith.mulf %parallel_loop3A_318, %parallel_loop3A_333 : vector<16xf32>
      %parallel_loop3A_335 = arith.addf %parallel_loop3A_328, %parallel_loop3A_334 : vector<16xf32>
      %parallel_loop3A_336 = arith.constant 1 : i32
      %parallel_loop3A_337 = vector.broadcast %parallel_loop3A_336 : i32 to vector<16xi32>
      %parallel_loop3A_338 = arith.addi %parallel_loop3A_324, %parallel_loop3A_337 : vector<16xi32>
      %parallel_loop3A_339 = tpu.vector_load_idx %arg10[%parallel_loop3A_338] : memref<12304xf32, #tpu.memory_space<vmem>>[vector<16xi32>], vector<16xf32>,
      %parallel_loop3A_340 = arith.constant 13 : i32
      %parallel_loop3A_341 = vector.broadcast %parallel_loop3A_340 : i32 to vector<16xi32>
      %parallel_loop3A_342 = arith.addi %parallel_loop3A_324, %parallel_loop3A_341 : vector<16xi32>
      %parallel_loop3A_343 = tpu.vector_load_idx %arg10[%parallel_loop3A_342] : memref<12304xf32, #tpu.memory_space<vmem>>[vector<16xi32>], vector<16xf32>,
      %parallel_loop3A_344 = arith.subf %parallel_loop3A_343, %parallel_loop3A_339 : vector<16xf32>
      %parallel_loop3A_345 = arith.mulf %parallel_loop3A_318, %parallel_loop3A_344 : vector<16xf32>
      %parallel_loop3A_346 = arith.addf %parallel_loop3A_339, %parallel_loop3A_345 : vector<16xf32>
      %parallel_loop3A_347 = arith.constant 2 : i32
      %parallel_loop3A_348 = vector.broadcast %parallel_loop3A_347 : i32 to vector<16xi32>
      %parallel_loop3A_349 = arith.addi %parallel_loop3A_324, %parallel_loop3A_348 : vector<16xi32>
      %parallel_loop3A_350 = tpu.vector_load_idx %arg10[%parallel_loop3A_349] : memref<12304xf32, #tpu.memory_space<vmem>>[vector<16xi32>], vector<16xf32>,
      %parallel_loop3A_351 = arith.constant 14 : i32
      %parallel_loop3A_352 = vector.broadcast %parallel_loop3A_351 : i32 to vector<16xi32>
      %parallel_loop3A_353 = arith.addi %parallel_loop3A_324, %parallel_loop3A_352 : vector<16xi32>
      %parallel_loop3A_354 = tpu.vector_load_idx %arg10[%parallel_loop3A_353] : memref<12304xf32, #tpu.memory_space<vmem>>[vector<16xi32>], vector<16xf32>,
      %parallel_loop3A_355 = arith.subf %parallel_loop3A_354, %parallel_loop3A_350 : vector<16xf32>
      %parallel_loop3A_356 = arith.mulf %parallel_loop3A_318, %parallel_loop3A_355 : vector<16xf32>
      %parallel_loop3A_357 = arith.addf %parallel_loop3A_350, %parallel_loop3A_356 : vector<16xf32>
      %parallel_loop3A_358 = arith.constant 1.000000e+00 : f32
      %parallel_loop3A_359 = vector.broadcast %parallel_loop3A_358 : f32 to vector<16xf32>
      %parallel_loop3A_360 = arith.divf %parallel_loop3A_359, %parallel_loop3A_335 : vector<16xf32>
      %parallel_loop3A_361 = arith.mulf %parallel_loop3A_346, %parallel_loop3A_360 : vector<16xf32>
      %parallel_loop3A_362 = arith.mulf %parallel_loop3A_309, %parallel_loop3A_361 : vector<16xf32>
      %parallel_loop3A_363 = arith.mulf %parallel_loop3A_357, %parallel_loop3A_360 : vector<16xf32>
      %parallel_loop3A_364 = arith.addf %parallel_loop3A_362, %parallel_loop3A_363 : vector<16xf32>
      %parallel_loop3A_365 = arith.constant 5.000000e-01 : f32
      %parallel_loop3A_366 = vector.broadcast %parallel_loop3A_365 : f32 to vector<16xf32>
      %parallel_loop3A_367 = arith.mulf %parallel_loop3A_366, %parallel_loop3A_309 : vector<16xf32>
      %parallel_loop3A_368 = arith.mulf %parallel_loop3A_367, %parallel_loop3A_309 : vector<16xf32>
      %parallel_loop3A_369 = arith.subf %parallel_loop3A_364, %parallel_loop3A_368 : vector<16xf32>
      %parallel_loop3A_370 = arith.addf %parallel_loop3A_293, %parallel_loop3A_369 : vector<16xf32>
      %parallel_loop3A_371 = arith.constant 384 : i32
      %parallel_loop3A_372 = arith.addi %parallel_loop3A_64, %parallel_loop3A_371 : i32
      %parallel_loop3A_373 = arith.index_cast %parallel_loop3A_372 : i32 to index
      %parallel_loop3A_374 = tpu.vector_load %arg11[%parallel_loop3A_373] {strides = array<i32>} : memref<25088xf32, #tpu.memory_space<vmem>>, vector<16xf32>,
      tpu.vector_store %arg11[%parallel_loop3A_373], %parallel_loop3A_361 {strides = array<i32>} : memref<25088xf32, #tpu.memory_space<vmem>>, vector<16xf32>,
      %parallel_loop3A_375 = arith.constant 16 : i32
      %parallel_loop3A_376 = arith.muli %parallel_loop3A_19, %parallel_loop3A_375 : i32
      %parallel_loop3A_377 = arith.index_cast %parallel_loop3A_376 : i32 to index
      %parallel_loop3A_378 = tpu.vector_load %arg12[%parallel_loop3A_377] {strides = array<i32>} : memref<6272xf32, #tpu.memory_space<vmem>>, vector<16xf32>,
      tpu.vector_store %arg12[%parallel_loop3A_377], %parallel_loop3A_370 {strides = array<i32>} : memref<6272xf32, #tpu.memory_space<vmem>>, vector<16xf32>,
    } {sc.loop_unroll_factor = 2 : i64, sc.parallel_access}
    %not3A_11 = arith.constant true
    %not3A_12 = arith.xori %eq3A_3, %not3A_11 : i1
    %convert_element_type3A_13 = arith.extui %not3A_12 : i1 to i32
    %cond3A_14 = arith.constant 0 : i32
    %cond3A_15 = arith.cmpi ne, %convert_element_type3A_13, %cond3A_14 : i32
    scf.if %cond3A_15 {
      %mul3A_19 = arith.constant 25088 : i32
      %mul3A_20 = arith.muli %add3A, %mul3A_19 : i32
      "tpu.region"() ({
        %run_scoped3A = tpu.sem_alloc : memref<!tpu.dma_semaphore, #tpu.memory_space<semaphore_mem>>
        %dma_start3A = tpu.memref_slice %arg7[%mul3A_20] : memref<800256xf32, #tpu.memory_space<hbm>> -> memref<25088xf32, #tpu.memory_space<hbm>>
        %dma_start3A_21 = tpu.memref_slice %arg7[%mul3A_20] : memref<800256xf32, #tpu.memory_space<hbm>> -> memref<25088xf32, #tpu.memory_space<hbm>>
        tpu.enqueue_dma source(%arg11 : memref<25088xf32, #tpu.memory_space<vmem>>) target(%dma_start3A_21 : memref<25088xf32, #tpu.memory_space<hbm>>) target_semaphore(%run_scoped3A : memref<!tpu.dma_semaphore, #tpu.memory_space<semaphore_mem>>)
        %dma_wait3A = tpu.memref_slice %arg7[%mul3A_20] : memref<800256xf32, #tpu.memory_space<hbm>> -> memref<25088xf32, #tpu.memory_space<hbm>>
        %dma_wait3A_22 = tpu.memref_slice %arg7[%mul3A_20] : memref<800256xf32, #tpu.memory_space<hbm>> -> memref<25088xf32, #tpu.memory_space<hbm>>
        tpu.wait_dma2 semaphore(%run_scoped3A : memref<!tpu.dma_semaphore, #tpu.memory_space<semaphore_mem>>) src(%arg11 : memref<25088xf32, #tpu.memory_space<vmem>>) dst(%dma_wait3A_22 : memref<25088xf32, #tpu.memory_space<hbm>>)
        tpu.yield
      }) : () -> ()
      "tpu.region"() ({
        %run_scoped3A = tpu.sem_alloc : memref<!tpu.dma_semaphore, #tpu.memory_space<semaphore_mem>>
        %dma_start3A = tpu.memref_slice %arg8[%mul3A_2] : memref<200000xf32, #tpu.memory_space<hbm>> -> memref<6272xf32, #tpu.memory_space<hbm>>
        %dma_start3A_21 = tpu.memref_slice %arg8[%mul3A_2] : memref<200000xf32, #tpu.memory_space<hbm>> -> memref<6272xf32, #tpu.memory_space<hbm>>
        tpu.enqueue_dma source(%arg12 : memref<6272xf32, #tpu.memory_space<vmem>>) target(%dma_start3A_21 : memref<6272xf32, #tpu.memory_space<hbm>>) target_semaphore(%run_scoped3A : memref<!tpu.dma_semaphore, #tpu.memory_space<semaphore_mem>>)
        %dma_wait3A = tpu.memref_slice %arg8[%mul3A_2] : memref<200000xf32, #tpu.memory_space<hbm>> -> memref<6272xf32, #tpu.memory_space<hbm>>
        %dma_wait3A_22 = tpu.memref_slice %arg8[%mul3A_2] : memref<200000xf32, #tpu.memory_space<hbm>> -> memref<6272xf32, #tpu.memory_space<hbm>>
        tpu.wait_dma2 semaphore(%run_scoped3A : memref<!tpu.dma_semaphore, #tpu.memory_space<semaphore_mem>>) src(%arg12 : memref<6272xf32, #tpu.memory_space<vmem>>) dst(%dma_wait3A_22 : memref<6272xf32, #tpu.memory_space<hbm>>)
        tpu.yield
      }) : () -> ()
    } else {
    }
    %convert_element_type3A_16 = arith.extui %eq3A_3 : i1 to i32
    %cond3A_17 = arith.constant 0 : i32
    %cond3A_18 = arith.cmpi ne, %convert_element_type3A_16, %cond3A_17 : i32
    scf.if %cond3A_18 {
      "tpu.region"() ({
        %run_scoped3A = tpu.sem_alloc : memref<!tpu.dma_semaphore, #tpu.memory_space<semaphore_mem>>
        %dma_start3A = arith.constant 0 : i32
        %dma_start3A_19 = tpu.memref_slice %arg11[%dma_start3A] : memref<25088xf32, #tpu.memory_space<vmem>> -> memref<22528xf32, #tpu.memory_space<vmem>>
        %dma_start3A_20 = arith.constant 777728 : i32
        %dma_start3A_21 = tpu.memref_slice %arg7[%dma_start3A_20] : memref<800256xf32, #tpu.memory_space<hbm>> -> memref<22528xf32, #tpu.memory_space<hbm>>
        %dma_start3A_22 = arith.constant 777728 : i32
        %dma_start3A_23 = tpu.memref_slice %arg7[%dma_start3A_22] : memref<800256xf32, #tpu.memory_space<hbm>> -> memref<22528xf32, #tpu.memory_space<hbm>>
        %dma_start3A_24 = arith.constant 0 : i32
        %dma_start3A_25 = tpu.memref_slice %arg11[%dma_start3A_24] : memref<25088xf32, #tpu.memory_space<vmem>> -> memref<22528xf32, #tpu.memory_space<vmem>>
        tpu.enqueue_dma source(%dma_start3A_25 : memref<22528xf32, #tpu.memory_space<vmem>>) target(%dma_start3A_23 : memref<22528xf32, #tpu.memory_space<hbm>>) target_semaphore(%run_scoped3A : memref<!tpu.dma_semaphore, #tpu.memory_space<semaphore_mem>>)
        %dma_wait3A = arith.constant 0 : i32
        %dma_wait3A_26 = tpu.memref_slice %arg11[%dma_wait3A] : memref<25088xf32, #tpu.memory_space<vmem>> -> memref<22528xf32, #tpu.memory_space<vmem>>
        %dma_wait3A_27 = arith.constant 777728 : i32
        %dma_wait3A_28 = tpu.memref_slice %arg7[%dma_wait3A_27] : memref<800256xf32, #tpu.memory_space<hbm>> -> memref<22528xf32, #tpu.memory_space<hbm>>
        %dma_wait3A_29 = arith.constant 777728 : i32
        %dma_wait3A_30 = tpu.memref_slice %arg7[%dma_wait3A_29] : memref<800256xf32, #tpu.memory_space<hbm>> -> memref<22528xf32, #tpu.memory_space<hbm>>
        %dma_wait3A_31 = arith.constant 0 : i32
        %dma_wait3A_32 = tpu.memref_slice %arg11[%dma_wait3A_31] : memref<25088xf32, #tpu.memory_space<vmem>> -> memref<22528xf32, #tpu.memory_space<vmem>>
        tpu.wait_dma2 semaphore(%run_scoped3A : memref<!tpu.dma_semaphore, #tpu.memory_space<semaphore_mem>>) src(%dma_wait3A_32 : memref<22528xf32, #tpu.memory_space<vmem>>) dst(%dma_wait3A_30 : memref<22528xf32, #tpu.memory_space<hbm>>)
        tpu.yield
      }) : () -> ()
      "tpu.region"() ({
        %run_scoped3A = tpu.sem_alloc : memref<!tpu.dma_semaphore, #tpu.memory_space<semaphore_mem>>
        %dma_start3A = arith.constant 0 : i32
        %dma_start3A_19 = tpu.memref_slice %arg12[%dma_start3A] : memref<6272xf32, #tpu.memory_space<vmem>> -> memref<5568xf32, #tpu.memory_space<vmem>>
        %dma_start3A_20 = arith.constant 194432 : i32
        %dma_start3A_21 = tpu.memref_slice %arg8[%dma_start3A_20] : memref<200000xf32, #tpu.memory_space<hbm>> -> memref<5568xf32, #tpu.memory_space<hbm>>
        %dma_start3A_22 = arith.constant 194432 : i32
        %dma_start3A_23 = tpu.memref_slice %arg8[%dma_start3A_22] : memref<200000xf32, #tpu.memory_space<hbm>> -> memref<5568xf32, #tpu.memory_space<hbm>>
        %dma_start3A_24 = arith.constant 0 : i32
        %dma_start3A_25 = tpu.memref_slice %arg12[%dma_start3A_24] : memref<6272xf32, #tpu.memory_space<vmem>> -> memref<5568xf32, #tpu.memory_space<vmem>>
        tpu.enqueue_dma source(%dma_start3A_25 : memref<5568xf32, #tpu.memory_space<vmem>>) target(%dma_start3A_23 : memref<5568xf32, #tpu.memory_space<hbm>>) target_semaphore(%run_scoped3A : memref<!tpu.dma_semaphore, #tpu.memory_space<semaphore_mem>>)
        %dma_wait3A = arith.constant 0 : i32
        %dma_wait3A_26 = tpu.memref_slice %arg12[%dma_wait3A] : memref<6272xf32, #tpu.memory_space<vmem>> -> memref<5568xf32, #tpu.memory_space<vmem>>
        %dma_wait3A_27 = arith.constant 194432 : i32
        %dma_wait3A_28 = tpu.memref_slice %arg8[%dma_wait3A_27] : memref<200000xf32, #tpu.memory_space<hbm>> -> memref<5568xf32, #tpu.memory_space<hbm>>
        %dma_wait3A_29 = arith.constant 194432 : i32
        %dma_wait3A_30 = tpu.memref_slice %arg8[%dma_wait3A_29] : memref<200000xf32, #tpu.memory_space<hbm>> -> memref<5568xf32, #tpu.memory_space<hbm>>
        %dma_wait3A_31 = arith.constant 0 : i32
        %dma_wait3A_32 = tpu.memref_slice %arg12[%dma_wait3A_31] : memref<6272xf32, #tpu.memory_space<vmem>> -> memref<5568xf32, #tpu.memory_space<vmem>>
        tpu.wait_dma2 semaphore(%run_scoped3A : memref<!tpu.dma_semaphore, #tpu.memory_space<semaphore_mem>>) src(%dma_wait3A_32 : memref<5568xf32, #tpu.memory_space<vmem>>) dst(%dma_wait3A_30 : memref<5568xf32, #tpu.memory_space<hbm>>)
        tpu.yield
      }) : () -> ()
    } else {
    }
    return
  }
}

module attributes {stable_mosaic.version = 14 : i64} {
  func.func @_table_body(%arg0: memref<201x4xf32, #tpu.memory_space<vmem>>, %arg1: memref<1032x4xf32, #tpu.memory_space<vmem>>, %arg2: memref<1032x4xf32, #tpu.memory_space<vmem>>, %arg3: memref<1032x4xf32, #tpu.memory_space<vmem>>) attributes {dimension_semantics = [], scalar_prefetch = 0 : i64, scratch_operands = 0 : i64, tpu.core_type = #tpu.core_type<tc>} {
    %get3A = arith.constant 0 : index
    %get3A_0 = arith.constant 0 : index
    %get3A_1 = vector.load %arg0[%get3A, %get3A_0] : memref<201x4xf32, #tpu.memory_space<vmem>>, vector<201x4xf32>
    %reduce_sum3A = arith.constant dense<0.000000e+00> : vector<4xf32>
    %reduce_sum3A_2 = vector.multi_reduction <add>, %get3A_1, %reduce_sum3A [0] : vector<201x4xf32> to vector<4xf32>
    %broadcast_in_dim3A = vector.shape_cast %reduce_sum3A_2 : vector<4xf32> to vector<1x4xf32>
    %div3A = arith.constant 2.010000e+02 : f32
    %div3A_3 = vector.broadcast %div3A : f32 to vector<1x4xf32>
    %div3A_4 = arith.divf %broadcast_in_dim3A, %div3A_3 : vector<1x4xf32>
    %sub3A = vector.broadcast %div3A_4 : vector<1x4xf32> to vector<201x4xf32>
    %sub3A_5 = arith.subf %get3A_1, %sub3A : vector<201x4xf32>
    %iota3A = tpu.iota {dimensions = array<i32: 0>} : vector<201x4xi32>
    %convert_element_type3A = arith.sitofp %iota3A : vector<201x4xi32> to vector<201x4xf32>
    %mul3A = arith.constant 0.00999999977 : f32
    %mul3A_6 = vector.broadcast %mul3A : f32 to vector<201x4xf32>
    %mul3A_7 = arith.mulf %convert_element_type3A, %mul3A_6 : vector<201x4xf32>
    %sub3A_8 = arith.constant 1.000000e+00 : f32
    %sub3A_9 = vector.broadcast %sub3A_8 : f32 to vector<201x4xf32>
    %sub3A_10 = arith.subf %mul3A_7, %sub3A_9 : vector<201x4xf32>
    %mul3A_11 = arith.constant -5.000000e+01 : f32
    %mul3A_12 = vector.broadcast %mul3A_11 : f32 to vector<201x4xf32>
    %mul3A_13 = arith.mulf %mul3A_12, %sub3A_5 : vector<201x4xf32>
    %exp3A = math.exp %mul3A_13 : vector<201x4xf32>
    %mul3A_14 = arith.mulf %sub3A_10, %exp3A : vector<201x4xf32>
    %mul3A_15 = arith.constant -5.000000e-01 : f32
    %mul3A_16 = vector.broadcast %mul3A_15 : f32 to vector<201x4xf32>
    %mul3A_17 = arith.mulf %mul3A_16, %sub3A_10 : vector<201x4xf32>
    %mul3A_18 = arith.mulf %mul3A_17, %sub3A_10 : vector<201x4xf32>
    %sub3A_19 = arith.subf %mul3A_18, %sub3A_5 : vector<201x4xf32>
    %mul3A_20 = arith.mulf %sub3A_19, %exp3A : vector<201x4xf32>
    %iota3A_21 = tpu.iota {dimensions = array<i32: 0>} : vector<1032x201xi32>
    %convert_element_type3A_22 = arith.sitofp %iota3A_21 : vector<1032x201xi32> to vector<1032x201xf32>
    %iota3A_23 = tpu.iota {dimensions = array<i32: 1>} : vector<1032x201xi32>
    %convert_element_type3A_24 = arith.sitofp %iota3A_23 : vector<1032x201xi32> to vector<1032x201xf32>
    %mul3A_25 = arith.constant 0.001953125 : f32
    %mul3A_26 = vector.broadcast %mul3A_25 : f32 to vector<1032x201xf32>
    %mul3A_27 = arith.mulf %convert_element_type3A_22, %mul3A_26 : vector<1032x201xf32>
    %sub3A_28 = arith.constant 1.000000e+00 : f32
    %sub3A_29 = vector.broadcast %sub3A_28 : f32 to vector<1032x201xf32>
    %sub3A_30 = arith.subf %mul3A_27, %sub3A_29 : vector<1032x201xf32>
    %mul3A_31 = arith.constant 0.00999999977 : f32
    %mul3A_32 = vector.broadcast %mul3A_31 : f32 to vector<1032x201xf32>
    %mul3A_33 = arith.mulf %convert_element_type3A_24, %mul3A_32 : vector<1032x201xf32>
    %sub3A_34 = arith.constant 1.000000e+00 : f32
    %sub3A_35 = vector.broadcast %sub3A_34 : f32 to vector<1032x201xf32>
    %sub3A_36 = arith.subf %mul3A_33, %sub3A_35 : vector<1032x201xf32>
    %sub3A_37 = arith.subf %sub3A_30, %sub3A_36 : vector<1032x201xf32>
    %mul3A_38 = arith.constant -2.500000e+01 : f32
    %mul3A_39 = vector.broadcast %mul3A_38 : f32 to vector<1032x201xf32>
    %mul3A_40 = arith.mulf %mul3A_39, %sub3A_37 : vector<1032x201xf32>
    %mul3A_41 = arith.mulf %mul3A_40, %sub3A_37 : vector<1032x201xf32>
    %exp3A_42 = math.exp %mul3A_41 : vector<1032x201xf32>
    %dot_general3A = arith.constant dense<0.000000e+00> : vector<1032x4xf32>
    %dot_general3A_43 = tpu.matmul %exp3A_42, %exp3A, %dot_general3A {dimension_numbers = #tpu.dot_dimension_numbers<[1], [0], [0], [1], [0, 0, 1, 1], [], []>, precision = #tpu.contract_precision<fp32>, transpose_lhs_hint = false} : vector<1032x201xf32>, vector<201x4xf32>, vector<1032x4xf32> -> vector<1032x4xf32>
    %swap3A = arith.constant 0 : index
    %swap3A_44 = arith.constant 0 : index
    %swap3A_45 = vector.load %arg1[%swap3A, %swap3A_44] : memref<1032x4xf32, #tpu.memory_space<vmem>>, vector<1032x4xf32>
    tpu.vector_store %arg1[%swap3A, %swap3A_44], %dot_general3A_43 {strides = array<i32>} : memref<1032x4xf32, #tpu.memory_space<vmem>>, vector<1032x4xf32>,
    %dot_general3A_46 = arith.constant dense<0.000000e+00> : vector<1032x4xf32>
    %dot_general3A_47 = tpu.matmul %exp3A_42, %mul3A_14, %dot_general3A_46 {dimension_numbers = #tpu.dot_dimension_numbers<[1], [0], [0], [1], [0, 0, 1, 1], [], []>, precision = #tpu.contract_precision<fp32>, transpose_lhs_hint = false} : vector<1032x201xf32>, vector<201x4xf32>, vector<1032x4xf32> -> vector<1032x4xf32>
    %swap3A_48 = arith.constant 0 : index
    %swap3A_49 = arith.constant 0 : index
    %swap3A_50 = vector.load %arg2[%swap3A_48, %swap3A_49] : memref<1032x4xf32, #tpu.memory_space<vmem>>, vector<1032x4xf32>
    tpu.vector_store %arg2[%swap3A_48, %swap3A_49], %dot_general3A_47 {strides = array<i32>} : memref<1032x4xf32, #tpu.memory_space<vmem>>, vector<1032x4xf32>,
    %dot_general3A_51 = arith.constant dense<0.000000e+00> : vector<1032x4xf32>
    %dot_general3A_52 = tpu.matmul %exp3A_42, %mul3A_20, %dot_general3A_51 {dimension_numbers = #tpu.dot_dimension_numbers<[1], [0], [0], [1], [0, 0, 1, 1], [], []>, precision = #tpu.contract_precision<fp32>, transpose_lhs_hint = false} : vector<1032x201xf32>, vector<201x4xf32>, vector<1032x4xf32> -> vector<1032x4xf32>
    %swap3A_53 = arith.constant 0 : index
    %swap3A_54 = arith.constant 0 : index
    %swap3A_55 = vector.load %arg3[%swap3A_53, %swap3A_54] : memref<1032x4xf32, #tpu.memory_space<vmem>>, vector<1032x4xf32>
    tpu.vector_store %arg3[%swap3A_53, %swap3A_54], %dot_general3A_52 {strides = array<i32>} : memref<1032x4xf32, #tpu.memory_space<vmem>>, vector<1032x4xf32>,
    return
  }
}

</mosaic_0001>

<sc_bundles>
// kernel: kernel.4.cloned.1.call-start
scs
__scs_entry_jumppad:
0x0: {  	(pc) =	sbr.rel $0x88, $3  }
0x1: {  	(tag) =	ssettag $0x0;
	lr =	simm.s32 $0x1  }
0x2: {  	[smem:$0x3F9F] =	sst lr;
	_ =	strace $0xD0000000  }
0x3: {  	_ = 	snop  }
0x4: {  	_ = 	snop  }
0x5: {  	_ = 	snop  }
0x6: {  	_ = 	snop  }
0x7: {  	_ = 	snop  }
__scs_overlays_trampoline_lowered:
0x8: {  	[smem:$0x3FAE] =	sst s0  }
0x9: {  	[smem:$0x3FAF] =	sst s1  }
0xa: {  	[smem:$0x3FB0] =	sst s2  }
0xb: {  	[smem:$0x3FB1] =	sst s3  }
0xc: {  	[smem:$0x3FB2] =	sst s4  }
0xd: {  	[smem:$0x3FB3] =	sst s5  }
0xe: {  	[smem:$0x3FB4] =	sst s6  }
0xf: {  	[smem:$0x3FB5] =	sst s7  }
0x10: {  	[smem:$0x3FB6] =	sst s8  }
0x11: {  	[smem:$0x3FB7] =	sst s9;
	s0 =	simm.s32 @!p0 $0x0  }
0x12: {  	s1 =	sld [smem:$0x3F9D];
	s0 =	simm.s32 @p0 $0x1  }
0x13: {  	[smem:$0x3FB8] =	sst s0;
	s0 =	simm.s32 @!p1 $0x0  }
0x14: {  	s2 =	sld [smem:$0x3F9C];
	s0 =	simm.s32 @p1 $0x1  }
0x15: {  	[smem:$0x3FB9] =	sst s0;
	s0 =	simm.s32 @!p2 $0x0  }
0x16: {  	s3 =	sld [smem:$0x3FDB];
	s0 =	simm.s32 @p2 $0x1  }
0x17: {  	s4 =	simm.s32 $0x1BF5;
	[smem:$0x3FBB] =	sst s0  }
0x18: {  	s0 =	sld [smem:$0x3F9E];
	_ =	swait.ge [sflag:s4], $0x0  }
0x19: {  	s7 =	sld [smem:$0x3F9F]  }
0x1a: {  	s8 =	sadd.s32 $0xFFFFE003, lr  }
0x1b: {  	s9 =	sadd.s32 $0xFFFFFEF7, lr;
	s5 =	simm.s32 $0xFFFFFFFF;
	p2 =	slt.u32 s8, $0xFFFFF086  }
0x1c: {  	p1 =	slt.u32 s9, $0xF7A;
	s5 =	simm.s32 @!p2 $0x0  }
0x1d: {  	s5 =	simm.s32 @p1 $0x1;
	p0 =	seq.s32 s7, s2  }
0x1e: {  	s7 =	smul.u32 @!p0 $0xF7A, s2;
	p2 =	seq.s32 @!p0 s5, $0x0  }
0x1f: {  	s9 =	smul.u32 $0xF7A, s1;
	s8 =	simm.s32 @!p0 $0x1BF5;
	p2 =	por !p2, p0  }
0x20: {  	[sflag:s8] =	ssyncset.s32 @!p0 $0xFFFFF086;
	s6 =	sadd.s32 @!p0 s3, s7;
	s7 =	simm.s32 @!p0 $0x108  }
0x21: {  	s3 =	sadd.s32 s3, s9;
	s6 =	sadd.s32 @!p0 $0x88, s6;
	s7 =	simm.s32 @p2 $0x1082  }
0x22: {  	[simem:s7], [sflag:s8] =	dma.local @!p0 [hbm:s6], $0xF7A  }
0x23: {  	s9 =	sor.u32 $0xD0000000, s2;
	s6 =	simm.s32 $0x108;
	_ =	swait.ge @!p0 [sflag:s8], $0x0  }
0x24: {  	s3 =	sadd.s32 $0x88, s3;
	s6 =	simm.s32 @!p1 $0x1082;
	[sflag:s4] =	ssyncset.s32 $0xFFFFF086  }
0x25: {  	[simem:s6], [sflag:s4] =	dma.local [hbm:s3], $0xF7A  }
0x26: {  	[smem:$0x3F9F] =	sst s1;
	(tag) =	ssettag s2;
	_ =	strace s9  }
0x27: {  	s1 =	sld [smem:$0x3FAF]  }
0x28: {  	s2 =	sld [smem:$0x3FB0]  }
0x29: {  	s4 =	sld [smem:$0x3FB2]  }
0x2a: {  	p0 =	seq.s32 s5, $0x0;
	s5 =	sld [smem:$0x3FB3]  }
0x2b: {  	s6 =	sld [smem:$0x3FB4]  }
0x2c: {  	s7 =	sld [smem:$0x3FB5]  }
0x2d: {  	s3 =	simm.s32 $0x108;
	s8 =	sld [smem:$0x3FB6]  }
0x2e: {  	s3 =	simm.s32 @!p0 $0x1082;
	s9 =	sld [smem:$0x3FB7]  }
0x2f: {  	lr =	sadd.s32 s0, s3;
	s0 =	sld [smem:$0x3FAE]  }
0x30: {  	s3 =	sld [smem:$0x3FB1]  }
0x31: {  	[smem:$0x3FBA] =	sst s10  }
0x32: {  	s10 =	sld [smem:$0x3FB8];
	_ =	sdelay $0x3  }
0x33: {  	p0 =	seq.s32 s10, $0x1;
	s10 =	sld [smem:$0x3FBA];
	_ =	sdelay $0x3  }
0x34: {  	[smem:$0x3FBA] =	sst s10  }
0x35: {  	s10 =	sld [smem:$0x3FB9];
	_ =	sdelay $0x3  }
0x36: {  	p1 =	seq.s32 s10, $0x1;
	s10 =	sld [smem:$0x3FBA];
	_ =	sdelay $0x3  }
0x37: {  	[smem:$0x3FBA] =	sst s10  }
0x38: {  	s10 =	sld [smem:$0x3FBB]  }
0x39: {  	_ = 	snop;
	(pc) =	sbr.ind lr, $3  }
0x3a: {  	_ = 	snop  }
0x3b: {  	_ = 	snop  }
0x3c: {  	p2 =	seq.s32 s10, $0x1;
	s10 =	sld [smem:$0x3FBA]  }
0x3d: {  	_ =	shalt  }
0x3e: {  	_ =	shalt  }
0x3f: {  	_ =	shalt  }
0x40: {  	_ =	shalt  }
0x41: {  	_ =	shalt  }
0x42: {  	_ =	shalt  }
0x43: {  	_ =	shalt  }
0x44: {  	_ =	shalt  }
0x45: {  	_ =	shalt  }
0x46: {  	_ =	shalt  }
0x47: {  	_ =	shalt  }
0x48: {  	_ =	shalt  }
0x49: {  	_ =	shalt  }
0x4a: {  	_ =	shalt  }
0x4b: {  	_ =	shalt  }
0x4c: {  	_ =	shalt  }
0x4d: {  	_ =	shalt  }
0x4e: {  	_ =	shalt  }
0x4f: {  	_ =	shalt  }
0x50: {  	_ =	shalt  }
0x51: {  	_ =	shalt  }
0x52: {  	_ =	shalt  }
0x53: {  	_ =	shalt  }
0x54: {  	_ =	shalt  }
0x55: {  	_ =	shalt  }
0x56: {  	_ =	shalt  }
0x57: {  	_ =	shalt  }
0x58: {  	_ =	shalt  }
0x59: {  	_ =	shalt  }
0x5a: {  	_ =	shalt  }
0x5b: {  	_ =	shalt  }
0x5c: {  	_ =	shalt  }
0x5d: {  	_ =	shalt  }
0x5e: {  	_ =	shalt  }
0x5f: {  	_ =	shalt  }
0x60: {  	_ =	shalt  }
0x61: {  	_ =	shalt  }
0x62: {  	_ =	shalt  }
0x63: {  	_ =	shalt  }
0x64: {  	_ =	shalt  }
0x65: {  	_ =	shalt  }
0x66: {  	_ =	shalt  }
0x67: {  	_ =	shalt  }
0x68: {  	_ =	shalt  }
0x69: {  	_ =	shalt  }
0x6a: {  	_ =	shalt  }
0x6b: {  	_ =	shalt  }
0x6c: {  	_ =	shalt  }
0x6d: {  	_ =	shalt  }
0x6e: {  	_ =	shalt  }
0x6f: {  	_ =	shalt  }
0x70: {  	_ =	shalt  }
0x71: {  	_ =	shalt  }
0x72: {  	_ =	shalt  }
0x73: {  	_ =	shalt  }
0x74: {  	_ =	shalt  }
0x75: {  	_ =	shalt  }
0x76: {  	_ =	shalt  }
0x77: {  	_ =	shalt  }
0x78: {  	_ =	shalt  }
0x79: {  	_ =	shalt  }
0x7a: {  	_ =	shalt  }
0x7b: {  	_ =	shalt  }
0x7c: {  	_ =	shalt  }
0x7d: {  	_ =	shalt  }
0x7e: {  	_ =	shalt  }
0x7f: {  	_ =	shalt  }
0x80: {  	_ =	shalt  }
0x81: {  	_ =	shalt  }
0x82: {  	_ =	shalt  }
0x83: {  	_ =	shalt  }
0x84: {  	_ =	shalt  }
0x85: {  	_ =	shalt  }
0x86: {  	_ =	shalt  }
0x87: {  	_ =	shalt  }
.Lfunc_end0:
.L_simem_size_0:
called_computation_lowered:
.L_overlay_start_0:
0x88: {  	s2 =	sld [smem:$0x3FD9]  }
0x89: {  	s3 =	sld [smem:$0x3FFE];
	_ =	sdelay $0x1  }
0x8a: {  	s1 =	srdreg.scid  }
0x8b: {  	s0 =	sand.u32 $0x1, s1  }
0x8c: {  	s14 =	sshll.u32 s0, $0xA;
	s2 =	sadd.s32 s3, s2  }
0x8d: {  	s2 =	sadd.s32 s2, s14  }
0x8e: {  	[smem:$0x3FC6] =	sst s2  }
0x8f: {  	_ = 	snop  }
0x90: {  	s2 =	sld [smem:$0x3FD0];
	_ =	sdelay $0x2  }
0x91: {  	s15 =	simm.s32 $0xA;
	s4 =	simm.s32 $0x10  }
0x92: {  	[smem:s4], [sflag:s15] =	dma.local [hbm:s2], $0x1  }
0x93: {  	_ =	swait.eq [sflag:s15], $0x1  }
0x94: {  	[sflag:s15] =	ssyncset.done $0x0  }
0x95: {  	s16 =	sld [smem:$0x10];
	[sflag:s15] =	ssyncadd.s32 $0xFFFFFFFF  }
0x96: {  	s17 =	sld [smem:$0x11];
	(tm) =	ssettm $0x1  }
0x97: {  	s18 =	sld [smem:$0x3FFB];
	_ =	sdelay $0x3  }
0x98: {  	_ =	strace s18  }
0x99: {  	s4 =	sld [smem:$0x3FFC];
	_ =	sdelay $0x3  }
0x9a: {  	_ =	strace s4  }
0x9b: {  	s4 =	sld [smem:$0x3FFD];
	_ =	sdelay $0x3  }
0x9c: {  	_ =	strace s4  }
0x9d: {  	_ =	strace $0x8FFFFFFF  }
0x9e: {  	s19 =	sld [smem:$0x3FDB];
	_ =	sdelay $0x1  }
0x9f: {  	s5 =	simm.s32 $_scs_section_size  }
0xa0: {  	s6 =	simm.s32 $_size__tile_overlayer_lowered;
	s7 =	simm.s32 $_tile_overlayer_lowered  }
0xa1: {  	s22 =	simm.s32 $0x1BFF;
	s21 =	sshll.u32 s7, $0x1;
	s4 =	sadd.s32 s5, s19  }
0xa2: {  	s8 =	simm.s32 $0x0;
	s20 =	sshll.u32 s6, $0x1;
	s6 =	sadd.s32 s21, s4  }
0xa3: {  	[timem:s8], [sflag:s22] =	dma.local [hbm:s6], s20  }
0xa4: {  	_ =	swait.ge [sflag:s22], s20  }
0xa5: {  	s5 =	ssub.s32 $0x0, s20;
	[sflag:s22] =	ssyncset.done $0x0  }
0xa6: {  	[sflag:s22] =	ssyncadd.s32 s5;
	_ =	sdelay $0x1  }
0xa7: {  	s23 =	simm.s32 $0x1B8B  }
0xa8: {  	_ =	swait.ge [sflag:s23], $0x1  }
0xa9: {  	[sflag:s23] =	ssyncset.done $0x0  }
0xaa: {  	s25 =	simm.s32 $0x1B8E;
	s24 =	sld [smem:$0x3FFE];
	[sflag:s23] =	ssyncadd.s32 $0xFFFFFFFF  }
0xab: {  	s26 =	simm.s32 $execute0_lowered;
	[smem:$0x3FD2] =	sst s25  }
0xac: {  	s6 =	sshll.u32 s26, $0x1;
	_ =	strace $0x80000046;
	[dreg:$0x1] =	wrdreg $0xFFFFFFFF  }
0xad: {  	s28 =	simm.s32 $_size_execute0_lowered;
	s4 =	sadd.s32 s4, s6;
	[dreg:$0x0] =	wrdreg $0x0  }
0xae: {  	s6 =	sshll.u32 s28, $0x1;
	[dreg:$0x2] =	wrdreg s4  }
0xaf: {  	[dreg:$0x3] =	wrdreg s6  }
0xb0: {  	[dreg:$0x4] =	wrdreg $0xC0  }
0xb1: {  	_ =	task [dreg:s8], $0x5FFFF  }
0xb2: {  	[dreg:$0x1] =	wrdreg $0xFFFFFFFF  }
0xb3: {  	[dreg:$0x0] =	wrdreg $0x60  }
0xb4: {  	[dreg:$0x2] =	wrdreg s24  }
0xb5: {  	[dreg:$0x3] =	wrdreg s16  }
0xb6: {  	[dreg:$0x4] =	wrdreg s17  }
0xb7: {  	[dreg:$0x5] =	wrdreg $0x9  }
0xb8: {  	_ =	task.clear_ibuf [dreg:s8], $0x6FFFF;
	_ =	strace $0x90000046  }
0xb9: {  	s29 =	simm.s32 $0x9;
	_ =	strace $0x80000048  }
0xba: {  	_ =	swait.ge [sflag:s29], $0x1  }
0xbb: {  	[sflag:s29] =	ssyncadd.s32 $0xFFFFFFFF  }
0xbc: {  	_ =	strace $0x90000048  }
0xbd: {  	_ =	sfence  }
0xbe: {  	s30 =	sld [smem:$0x0];
	_ =	sdelay $0x2  }
0xbf: {  	s31 =	sshll.u32 s1, $0xD;
	s1 =	sshrl.u32 s1, $0x2  }
0xc0: {  	s3 =	sand.u32 $0x4000, s31;
	s1 =	sadd.s32 s1, s30  }
0xc1: {  	s0 =	sor.u32 s3, s0;
	s1 =	sshll.u32 s1, $0x11  }
0xc2: {  	s0 =	sor.u32 s1, s0  }
0xc3: {  	s0 =	sadd.s32 $0x8F2B, s0  }
0xc4: {  	[sflag:s0] =	ssyncadd.remote.s32 $0x1  }
0xc5: {  	_ =	sfence.sel $0xFFFF  }
0xc6: {  	[dreg:$0x0] =	wrdreg $0xFFFFFFFF;
	(pc) =	sbr.abs _section_cstart, $3  }
0xc7: {  	[dreg:$0x1] =	wrdreg $0xFFFFFFFF  }
0xc8: {  	_ =	task.clear_ibuf [dreg:s8], $0x2FFFF;
	_ =	strace $0x9FFFFFFF  }
0xc9: {  	(tm) =	ssettm $0x7FFFFFFF  }
tec
execute0_lowered:
.L_overlay_start_1:
0x0: {  	(tag) =	ssettag $0x1  }
0x1: {  	s0 =	rddreg [dreg:$0x0]  }
0x2: {  	s1 =	rddreg [dreg:$0x1]  }
0x3: {  	s2 =	srdreg.scid;
	s4 =	stileid.u32  }
0x4: {  	s3 =	rddreg [dreg:$0x2];
	s9 =	simm.s32 $0x0;
	s17 =	simm.s32 $0x6200  }
0x5: {  	s18 =	simm.s32 $0x1;
	s19 =	simm.s32 $0x0;
	s2 =	sand.u32 $0x1, s2  }
0x6: {  	s4 =	sshll.u32 s4, $0x1;
	[smem:$0x7FF] =	sst s9;
	s24 =	sadd.s32 $0x12600, s0  }
0x7: {  	s29 =	sadd.s32 $0x122F0, s0;
	s30 =	sadd.s32 $0xC0F0, s0;
	s31 =	sadd.s32 $0x5EF0, s0  }
0x8: {  	s14 =	sadd.s32 $0x2A9C0, s0;
	_ =	strace $0x80000047;
	[dreg:$0x4] =	wrdreg s24  }
0x9: {  	s15 =	sadd.s32 $0x5EF0, s3;
	s5 =	sor.u32 s2, s4;
	[dreg:$0x8] =	wrdreg s29  }
0xa: {  	s2 =	ssub.s32 $0x2, s2;
	[dreg:$0x9] =	wrdreg s30;
	s6 =	smul.u32 $0x310, s5  }
0xb: {  	[dreg:$0xa] =	wrdreg s31;
	s7 =	smul.u32 $0xC40, s5;
	s8 =	sshrl.u32 s2, $0x1  }
0xc: {  	p0 =	seq.s32 s5, $0x1F;
	s2 =	ssub.s32 s2, s8;
	s28 =	sadd.s32 s1, s6  }
0xd: {  	s4 =	sadd.s32 s0, s6;
	s1 =	sadd.s32 $0x5EF0, s1;
	[dreg:$0x7] =	wrdreg s28  }
0xe: {  	s7 =	sadd.s32 s7, s0;
	s25 =	sadd.s32 $0xC400, s4;
	[dreg:$0xb] =	wrdreg s1  }
0xf: {  	s13 =	sadd.s32 s3, s6;
	s26 =	sadd.s32 $0x6200, s4;
	[dreg:$0x5] =	wrdreg s25  }
0x10: {  	s16 =	smax.u32 s2, $0x1;
	s12 =	sadd.s32 $0x12E00, s7;
	[dreg:$0x6] =	wrdreg s26  }
.LBB2_1:
0x11: {  	s0 =	simm.s32 @p0 $0x0;
	s1 =	rddreg [dreg:$0x8]  }
0x12: {  	[tilespmem:s0], [sflag:$0x1] =	stream.linear.gather @p0 [hbm4b:s1+s0], $0x15C0, $0x38;
	[tilespmem:$0x10D00] =	vst v63  }
0x13: {  	s1 =	simm.s32 @p0 $0x1  }
0x14: {  	_ =	swait.ge @p0 [sflag:s1], $0x15C0  }
0x15: {  	[sflag:s1] =	ssyncset.done @p0 $0x0  }
0x16: {  	s2 =	simm.s32 @p0 $0x1880;
	s3 =	rddreg [dreg:$0x9];
	[sflag:s1] =	ssyncadd.s32 @p0 $0xFFFFEA40  }
0x17: {  	[tilespmem:s2], [sflag:$0x1] =	stream.linear.gather @p0 [hbm4b:s3+s0], $0x15C0, $0x38;
	[tilespmem:$0x10D00] =	vst v63  }
0x18: {  	_ =	swait.ge @p0 [sflag:s1], $0x15C0  }
0x19: {  	[sflag:s1] =	ssyncset.done @p0 $0x0  }
0x1a: {  	s2 =	simm.s32 @p0 $0x3100;
	s3 =	rddreg [dreg:$0xa];
	[sflag:s1] =	ssyncadd.s32 @p0 $0xFFFFEA40  }
0x1b: {  	[tilespmem:s2], [sflag:$0x1] =	stream.linear.gather @p0 [hbm4b:s3+s0], $0x15C0, $0x38;
	[tilespmem:$0x10D00] =	vst v63  }
0x1c: {  	_ =	swait.ge @p0 [sflag:s1], $0x15C0  }
0x1d: {  	[sflag:s1] =	ssyncset.done @p0 $0x0  }
0x1e: {  	s2 =	simm.s32 @p0 $0x4980;
	s3 =	rddreg [dreg:$0xb];
	[sflag:s1] =	ssyncadd.s32 @p0 $0xFFFFEA40  }
0x1f: {  	[tilespmem:s2], [sflag:$0x1] =	stream.linear.gather @p0 [hbm4b:s3+s0], $0x15C0, $0x38;
	[tilespmem:$0x10D00] =	vst v63  }
0x20: {  	_ =	swait.ge @p0 [sflag:s1], $0x15C0  }
0x21: {  	[sflag:s1] =	ssyncset.done @p0 $0x0  }
0x22: {  	s0 =	simm.s32 @!p0 $0x0;
	[sflag:s1] =	ssyncadd.s32 @p0 $0xFFFFEA40;
	s1 =	rddreg [dreg:$0x5]  }
0x23: {  	[tilespmem:s0], [sflag:$0x1] =	stream.linear.gather @!p0 [hbm4b:s1+s0], $0x1880, $0x38;
	[tilespmem:$0x10D00] =	vst v63  }
0x24: {  	s1 =	simm.s32 @!p0 $0x1  }
0x25: {  	_ =	swait.ge @!p0 [sflag:s1], $0x1880  }
0x26: {  	[sflag:s1] =	ssyncset.done @!p0 $0x0  }
0x27: {  	s2 =	simm.s32 @!p0 $0x1880;
	s3 =	rddreg [dreg:$0x6];
	[sflag:s1] =	ssyncadd.s32 @!p0 $0xFFFFE780  }
0x28: {  	[tilespmem:s2], [sflag:$0x1] =	stream.linear.gather @!p0 [hbm4b:s3+s0], $0x1880, $0x38;
	[tilespmem:$0x10D00] =	vst v63  }
0x29: {  	_ =	swait.ge @!p0 [sflag:s1], $0x1880  }
0x2a: {  	[sflag:s1] =	ssyncset.done @!p0 $0x0  }
0x2b: {  	s2 =	simm.s32 @!p0 $0x3100;
	[sflag:s1] =	ssyncadd.s32 @!p0 $0xFFFFE780  }
0x2c: {  	[tilespmem:s2], [sflag:$0x1] =	stream.linear.gather @!p0 [hbm4b:s4+s0], $0x1880, $0x38;
	[tilespmem:$0x10D00] =	vst v63  }
0x2d: {  	_ =	swait.ge @!p0 [sflag:s1], $0x1880  }
0x2e: {  	[sflag:s1] =	ssyncset.done @!p0 $0x0  }
0x2f: {  	s2 =	simm.s32 @!p0 $0x4980;
	s3 =	rddreg [dreg:$0x7];
	[sflag:s1] =	ssyncadd.s32 @!p0 $0xFFFFE780  }
0x30: {  	[tilespmem:s2], [sflag:$0x1] =	stream.linear.gather @!p0 [hbm4b:s3+s0], $0x1880, $0x38;
	[tilespmem:$0x10D00] =	vst v63  }
0x31: {  	_ =	swait.ge @!p0 [sflag:s1], $0x1880  }
0x32: {  	[sflag:s1] =	ssyncset.done @!p0 $0x0  }
0x33: {  	s24 =	rddreg [dreg:$0x4];
	[sflag:s1] =	ssyncadd.s32 @!p0 $0xFFFFE780  }
0x34: {  	[tilespmem:s17], [sflag:$0x1] =	stream.linear.gather [hbm4b:s24+s9], $0x3080, $0x38;
	[tilespmem:$0x10D00] =	vst v63  }
0x35: {  	_ =	swait.ge [sflag:s18], $0x3080  }
0x36: {  	[sflag:s18] =	ssyncset.done $0x0  }
0x37: {  	s1 =	simm.s32 $0x0;
	[sflag:s18] =	ssyncadd.s32 $0xFFFFCF80  }
0x38: {  	v0 =	vld [tilespmem:s1+$0x10];
	_ =	sdelay $0x4  }
0x39: {  	v0 =	vmax.f32 v0, $-9.998999830e-01  }
0x3a: {  	v59 =	vmin.f32 v0, $9.998999830e-01  }
0x3b: {  	v0 =	vld [tilespmem:s1+$0x0];
	v1 =	vadd.f32 $1.000000000e+00, v59;
	_ =	sdelay $0x1  }
0x3c: {  	v1 =	vmul.f32 $5.120000000e+02, v1;
	_ =	sdelay $0x1  }
0x3d: {  	v2 =	vtrunc.f32 v1  }
0x3e: {  	v0 =	vmax.f32 v0, $-9.998999830e-01;
	v2 =	vcvt.f32.s32 v2  }
0x3f: {  	v8 =	vmin.f32 v0, $9.998999830e-01  }
0x40: {  	v0 =	vadd.f32 $1.000000000e+00, v8;
	v3 =	vmul.u32 $0xC, v2;
	_ =	sdelay $0x1  }
0x41: {  	v5 =	vmul.f32 $5.120000000e+02, v0;
	v4 =	vadd.s32 $0xC, v3;
	_ =	sdelay $0x1  }
0x42: {  	v0 =	vtrunc.f32 v5  }
0x43: {  	v6 =	vcvt.f32.s32 v0  }
0x44: {  	v7 =	vld.idx.msk [tilespmem:v3+s17+$0x0], $0xffff  }
0x45: {  	v9 =	vmul.u32 $0xC, v6;
	v4 =	vld.idx.msk [tilespmem:v4+s17+$0x0], $0xffff;
	_ =	sdelay $0x1  }
0x46: {  	v10 =	vadd.s32 $0xC, v9  }
0x47: {  	v0 =	vcvt.s32.f32 v2  }
0x48: {  	v2 =	vor.u32 $0x1, v3  }
0x49: {  	v11 =	vadd.s32 $0xD, v3;
	v0 =	vsub.f32 v1, v0;
	v1 =	vsub.f32 v4, v7;
	_ =	sdelay $0x1  }
0x4a: {  	v4 =	vld.idx.msk [tilespmem:v10+s17+$0x0], $0xffff;
	v1 =	vmul.f32 v0, v1  }
0x4b: {  	v10 =	vld.idx.msk [tilespmem:v9+s17+$0x0], $0xffff  }
0x4c: {  	v6 =	vcvt.s32.f32 v6;
	v2 =	vld.idx.msk [tilespmem:v2+s17+$0x0], $0xffff;
	v1 =	vadd.f32 v1, v7  }
0x4d: {  	v7 =	vld.idx.msk [tilespmem:v11+s17+$0x0], $0xffff  }
0x4e: {  	v6 =	vsub.f32 v5, v6;
	v5 =	vadd.s32 $0xD, v9;
	(erf) = vrcp.f32 v1  }
0x4f: {  	v1 =	vor.u32 $0x1, v9  }
0x50: {  	v4 =	vsub.f32 v4, v10;
	_ =	sdelay $0x1  }
0x51: {  	v4 =	vmul.f32 v6, v4;
	v7 =	vsub.f32 v7, v2  }
0x52: {  	v12 =	vadd.s32 $0xE, v3;
	v5 =	vld.idx.msk [tilespmem:v5+s17+$0x0], $0xffff  }
0x53: {  	v11 =	vor.u32 $0x2, v3;
	v3 =	vadd.f32 v4, v10;
	v1 =	vld.idx.msk [tilespmem:v1+s17+$0x0], $0xffff;
	v7 =	vmul.f32 v0, v7;
	_ =	sdelay $0x1  }
0x54: {  	(erf) = vrcp.f32 v3;
	v2 =	vadd.f32 v7, v2  }
0x55: {  	s25 =	simm.s32 $0x10;
	s29 =	sand.u32 $0x7FFFFE00, s9;
	s30 =	simm.s32 $0x0;
	v4 =	vpop (erf)  }
0x56: {  	s26 =	sand.u32 $0x7FFFFF80, s30;
	s25 =	sand.u32 $0x70, s25;
	s2 =	sadd.s32 $0x9280, s29;
	v3 =	vmul.f32 v4, v2  }
0x57: {  	s31 =	sadd.s32 $0x1880, s26;
	s28 =	sor.u32 s25, s2;
	v7 =	vld.idx.msk [tilespmem:v11+s17+$0x0], $0xffff;
	v2 =	vsub.f32 v5, v1  }
0x58: {  	s5 =	sor.u32 s25, s31;
	v11 =	vld.idx.msk [tilespmem:v12+s17+$0x0], $0xffff;
	[tilespmem:s28+$0x0] =	vst v3  }
0x59: {  	v5 =	vor.u32 $0x2, v9;
	v2 =	vmul.f32 v6, v2;
	v10 =	vld [tilespmem:s5+$0x0]  }
0x5a: {  	v9 =	vadd.s32 $0xE, v9;
	_ =	sdelay $0x1  }
0x5b: {  	v1 =	vadd.f32 v2, v1  }
0x5c: {  	v2 =	vpop (erf)  }
0x5d: {  	s24 =	sand.u32 $0x60, s30;
	v61 =	vld.idx.msk [tilespmem:v5+s17+$0x0], $0xffff;
	v1 =	vmul.f32 v2, v1;
	v5 =	vmax.f32 v10, $-9.998999830e-01  }
0x5e: {  	s21 =	sor.u32 s24, s2;
	v9 =	vld.idx.msk [tilespmem:v9+s17+$0x0], $0xffff;
	v5 =	vmin.f32 v5, $9.998999830e-01  }
0x5f: {  	s0 =	sor.u32 s24, s31;
	[tilespmem:s21+$0x0] =	vst v1;
	v10 =	vadd.f32 $1.000000000e+00, v5  }
0x60: {  	v13 =	vld [tilespmem:s0+$0x0]  }
0x61: {  	v45 =	vmul.f32 $5.120000000e+02, v10;
	_ =	sdelay $0x1  }
0x62: {  	v9 =	vsub.f32 v9, v61;
	v10 =	vtrunc.f32 v45  }
0x63: {  	v10 =	vcvt.f32.s32 v10  }
0x64: {  	v9 =	vmul.f32 v9, v6;
	v6 =	vmax.f32 v13, $-9.998999830e-01  }
0x65: {  	v6 =	vmin.f32 v6, $9.998999830e-01;
	v41 =	vmul.u32 $0xC, v10  }
0x66: {  	s23 =	simm.s32 @!p0 $0x188;
	v9 =	vadd.f32 v9, v61;
	v62 =	vadd.f32 $1.000000000e+00, v6  }
0x67: {  	s23 =	simm.s32 @p0 $0x15C;
	v63 =	vmul.f32 $5.000000000e-01, v8;
	v14 =	vor.u32 $0x3, v41  }
0x68: {  	p3 =	sgt.u32 s23, $0x2;
	v2 =	vmul.f32 v2, v9;
	v9 =	vadd.s32 $0xF, v41;
	v51 =	vmul.f32 $5.120000000e+02, v62  }
.Ltmp0:
0x69: {  	v1 =	vmul.f32 v1, v8;
	(pc) =	sbr.rel @!p3 .LBB2_2-.Ltmp0, $4  }
0x6a: {  	v8 =	vmul.f32 v63, v8;
	v12 =	vtrunc.f32 v51  }
0x6b: {  	v1 =	vadd.f32 v1, v2;
	v2 =	vmul.f32 $5.000000000e-01, v6;
	v57 =	vcvt.f32.s32 v12  }
0x6c: {  	v61 =	vcvt.s32.f32 v10;
	v58 =	vadd.s32 $0x4, v41;
	v55 =	vld.idx.msk [tilespmem:v14+s17+$0x0], $0xffff  }
0x6d: {  	p1 =	por $0x0, $0x0;
	p2 =	por $0x0, $0x0;
	s0 =	simm.s32 $0x80;
	v34 =	vsub.f32 v1, v8;
	v1 =	vmul.f32 v2, v6;
	v60 =	vld.idx.msk [tilespmem:v9+s17+$0x0], $0xffff;
	v52 =	vmul.u32 $0xC, v57  }
0x6e: {  	_ =	sdelay $0x3  }
0x6f: {  	v2 =	vadd.s32 $0x10, v41;
	v29 =	vsub.f32 v45, v61;
	v8 =	vsub.f32 v60, v55;
	_ =	sdelay $0x1  }
0x70: {  	v8 =	vmul.f32 v29, v8;
	_ =	sdelay $0x1  }
0x71: {  	v9 =	vld.idx.msk [tilespmem:v58+s17+$0x0], $0xffff;
	v8 =	vadd.f32 v8, v55  }
0x72: {  	v2 =	vld.idx.msk [tilespmem:v2+s17+$0x0], $0xffff  }
0x73: {  	(erf) = vrcp.f32 v8;
	_ =	sdelay $0x3  }
0x74: {  	v2 =	vsub.f32 v2, v9;
	_ =	sdelay $0x1  }
0x75: {  	v8 =	vadd.s32 $0x5, v41;
	v2 =	vmul.f32 v29, v2  }
0x76: {  	s22 =	simm.s32 $0x20;
	v10 =	vadd.s32 $0x11, v41  }
0x77: {  	v12 =	vld [tilespmem:s22+$0x10];
	v2 =	vadd.f32 v2, v9  }
0x78: {  	v9 =	vpop (erf)  }
0x79: {  	[tilespmem:$0x1FFD0] =	vst v9;
	v13 =	vmul.f32 v9, v2  }
0x7a: {  	v25 =	vld.idx.msk [tilespmem:v8+s17+$0x0], $0xffff  }
0x7b: {  	s2 =	sadd.s32 $0x3100, s26;
	v2 =	vld.idx.msk [tilespmem:v10+s17+$0x0], $0xffff;
	[tilespmem:$0x1FFE0] =	vst v13  }
0x7c: {  	s3 =	sor.u32 s25, s2;
	v9 =	vmax.f32 v12, $-9.998999830e-01;
	v12 =	vadd.s32 $0xF, v52;
	[tilespmem:s28+$0x80] =	vst v13  }
0x7d: {  	v8 =	vor.u32 $0x3, v52;
	v10 =	vmin.f32 v9, $9.998999830e-01;
	v9 =	vld [tilespmem:s3+$0x0]  }
0x7e: {  	v13 =	vadd.f32 $1.000000000e+00, v10  }
0x7f: {  	v14 =	vld [tilespmem:s22+$0x0]  }
0x80: {  	v13 =	vmul.f32 $5.120000000e+02, v13  }
0x81: {  	v12 =	vld.idx.msk [tilespmem:v12+s17+$0x0], $0xffff  }
0x82: {  	v8 =	vld.idx.msk [tilespmem:v8+s17+$0x0], $0xffff;
	v15 =	vtrunc.f32 v13;
	v9 =	vmax.f32 v9, $-9.998999830e-01  }
0x83: {  	v16 =	vcvt.s32.f32 v57;
	v15 =	vcvt.f32.s32 v15;
	v37 =	vmin.f32 v9, $9.998999830e-01  }
0x84: {  	v18 =	vadd.s32 $0x10, v52;
	v14 =	vmax.f32 v14, $-9.998999830e-01;
	v17 =	vadd.f32 $1.000000000e+00, v37  }
0x85: {  	v19 =	vmin.f32 v14, $9.998999830e-01;
	v9 =	vadd.s32 $0x4, v52;
	v14 =	vmul.u32 $0xC, v15  }
0x86: {  	v20 =	vadd.f32 $1.000000000e+00, v19;
	v17 =	vmul.f32 $5.120000000e+02, v17  }
0x87: {  	v21 =	vsub.f32 v51, v16;
	v12 =	vsub.f32 v12, v8;
	v16 =	vadd.s32 $0xC, v14  }
0x88: {  	v20 =	vmul.f32 $5.120000000e+02, v20;
	v22 =	vtrunc.f32 v17  }
0x89: {  	v18 =	vld.idx.msk [tilespmem:v18+s17+$0x0], $0xffff;
	v12 =	vmul.f32 v21, v12;
	v22 =	vcvt.f32.s32 v22  }
0x8a: {  	v23 =	vtrunc.f32 v20;
	v9 =	vld.idx.msk [tilespmem:v9+s17+$0x0], $0xffff  }
0x8b: {  	v8 =	vadd.f32 v12, v8;
	v23 =	vcvt.f32.s32 v23;
	v24 =	vld.idx.msk [tilespmem:v14+s17+$0x0], $0xffff;
	v26 =	vmul.u32 $0xC, v22  }
0x8c: {  	v30 =	vor.u32 $0x1, v14;
	v16 =	vld.idx.msk [tilespmem:v16+s17+$0x0], $0xffff  }
0x8d: {  	(erf) = vrcp.f32 v8;
	v27 =	vmul.u32 $0xC, v23;
	v8 =	vadd.s32 $0x6, v26  }
0x8e: {  	v28 =	vadd.s32 $0x12, v26  }
0x8f: {  	v12 =	vcvt.s32.f32 v15;
	v15 =	vsub.f32 v18, v9;
	v18 =	vadd.s32 $0xC, v27;
	_ =	sdelay $0x1  }
0x90: {  	v12 =	vsub.f32 v13, v12;
	v30 =	vld.idx.msk [tilespmem:v30+s17+$0x0], $0xffff;
	v13 =	vsub.f32 v16, v24;
	v16 =	vadd.s32 $0xD, v14  }
0x91: {  	v31 =	vadd.s32 $0x5, v52;
	v23 =	vcvt.s32.f32 v23;
	v8 =	vld.idx.msk [tilespmem:v8+s17+$0x0], $0xffff  }
0x92: {  	v13 =	vmul.f32 v12, v13;
	v28 =	vld.idx.msk [tilespmem:v28+s17+$0x0], $0xffff  }
0x93: {  	v20 =	vsub.f32 v20, v23;
	v23 =	vadd.s32 $0xD, v27;
	v15 =	vmul.f32 v21, v15;
	v18 =	vld.idx.msk [tilespmem:v18+s17+$0x0], $0xffff  }
0x94: {  	v32 =	vadd.s32 $0x11, v52;
	v13 =	vadd.f32 v13, v24;
	v24 =	vld.idx.msk [tilespmem:v27+s17+$0x0], $0xffff  }
0x95: {  	v9 =	vadd.f32 v15, v9;
	v15 =	vcvt.s32.f32 v22;
	v16 =	vld.idx.msk [tilespmem:v16+s17+$0x0], $0xffff  }
0x96: {  	v22 =	vld.idx.msk [tilespmem:v31+s17+$0x0], $0xffff;
	v31 =	vadd.s32 $0x13, v26;
	v33 =	vpop (erf);
	(erf) = vrcp.f32 v13;
	v13 =	vadd.s32 $0x7, v26  }
0x97: {  	v15 =	vsub.f32 v17, v15;
	v9 =	vmul.f32 v33, v9;
	v17 =	vsub.f32 v28, v8  }
0x98: {  	v54 =	vor.u32 $0x1, v27;
	v23 =	vld.idx.msk [tilespmem:v23+s17+$0x0], $0xffff  }
0x99: {  	s2 =	sor.u32 s24, s2;
	v28 =	vld.idx.msk [tilespmem:v32+s17+$0x0], $0xffff;
	[tilespmem:s21+$0x80] =	vst v9;
	v18 =	vsub.f32 v18, v24;
	v17 =	vmul.f32 v15, v17  }
0x9a: {  	v35 =	vld [tilespmem:s2+$0x0];
	v16 =	vsub.f32 v16, v30  }
0x9b: {  	v36 =	vld.idx.msk [tilespmem:v13+s17+$0x0], $0xffff;
	v13 =	vmul.f32 v20, v18;
	v8 =	vadd.f32 v17, v8;
	v17 =	vor.u32 $0x2, v14  }
0x9c: {  	v31 =	vld.idx.msk [tilespmem:v31+s17+$0x0], $0xffff;
	v18 =	vadd.s32 $0xE, v14;
	v16 =	vmul.f32 v12, v16  }
0x9d: {  	v38 =	vor.u32 $0x2, v27;
	v32 =	vld.idx.msk [tilespmem:v54+s17+$0x0], $0xffff  }
0x9e: {  	(erf) = vrcp.f32 v8;
	v8 =	vadd.f32 v13, v24;
	v14 =	vadd.f32 v16, v30  }
0x9f: {  	s10 =	simm.s32 $0x30;
	s0 =	sand.u32 $0x7FFFFE00, s0;
	s5 =	simm.s32 $0x20;
	v28 =	vsub.f32 v28, v22;
	v24 =	vadd.s32 $0xE, v27;
	v27 =	vmax.f32 v35, $-9.998999830e-01;
	v13 =	vpop (erf)  }
0xa0: {  	s7 =	sadd.s32 $0x9280, s0;
	s6 =	sand.u32 $0x7FFFFF80, s5;
	s3 =	sand.u32 $0x70, s10;
	(erf) = vrcp.f32 v8;
	v14 =	vmul.f32 v13, v14;
	v8 =	vmin.f32 v27, $9.998999830e-01;
	v16 =	vld.idx.msk [tilespmem:v17+s17+$0x0], $0xffff  }
0xa1: {  	s11 =	sadd.s32 $0x1880, s6;
	s29 =	sor.u32 s3, s7;
	v27 =	vsub.f32 v31, v36;
	v17 =	vld.idx.msk [tilespmem:v18+s17+$0x0], $0xffff;
	v18 =	vadd.f32 $1.000000000e+00, v8  }
0xa2: {  	s20 =	sor.u32 s3, s11;
	v23 =	vsub.f32 v23, v32;
	v30 =	vadd.s32 $0x8, v26;
	v21 =	vmul.f32 v28, v21;
	v31 =	vld.idx.msk [tilespmem:v38+s17+$0x0], $0xffff;
	[tilespmem:s29+$0x0] =	vst v14  }
0xa3: {  	v26 =	vadd.s32 $0x14, v26;
	v27 =	vmul.f32 v15, v27;
	v28 =	vld [tilespmem:s20+$0x0];
	v55 =	vmul.f32 $5.120000000e+02, v18  }
0xa4: {  	v21 =	vadd.f32 v21, v22;
	v56 =	vld.idx.msk [tilespmem:v24+s17+$0x0], $0xffff  }
0xa5: {  	v22 =	vmul.f32 v20, v23;
	v24 =	vadd.f32 v27, v36;
	v27 =	vtrunc.f32 v55  }
0xa6: {  	v18 =	vmul.f32 $5.000000000e-01, v19;
	v27 =	vcvt.f32.s32 v27  }
0xa7: {  	v6 =	vmul.f32 v9, v6;
	v21 =	vmul.f32 v33, v21;
	v22 =	vadd.f32 v22, v32;
	v23 =	vpop (erf)  }
0xa8: {  	v33 =	vld.idx.msk [tilespmem:v26+s17+$0x0], $0xffff;
	v57 =	vmul.f32 v18, v19;
	v24 =	vmul.f32 v23, v24;
	v26 =	vmul.u32 $0xC, v27  }
0xa9: {  	s30 =	sadd.s32 $0x4980, s26;
	v6 =	vadd.f32 v6, v21;
	v9 =	vmax.f32 v28, $-9.998999830e-01;
	v58 =	vsub.f32 v56, v31;
	v28 =	vpop (erf)  }
0xaa: {  	s8 =	sor.u32 s25, s30;
	s5 =	sand.u32 $0x60, s5;
	v30 =	vld.idx.msk [tilespmem:v30+s17+$0x0], $0xffff;
	v18 =	vmin.f32 v9, $9.998999830e-01;
	[tilespmem:s28+$0x100] =	vst v24;
	v22 =	vmul.f32 v28, v22;
	v60 =	vadd.s32 $0x6, v26  }
0xab: {  	s31 =	sor.u32 s5, s7;
	v21 =	vadd.f32 $1.000000000e+00, v18;
	v61 =	vadd.s32 $0x12, v26;
	v9 =	vld [tilespmem:s8+$0x0]  }
0xac: {  	s2 =	sor.u32 s5, s11;
	v1 =	vsub.f32 v6, v1;
	v20 =	vmul.f32 v58, v20;
	v6 =	vadd.s32 $0x7, v26;
	[tilespmem:s31+$0x0] =	vst v22  }
0xad: {  	v27 =	vcvt.s32.f32 v27;
	v43 =	vadd.s32 $0x8, v26;
	v45 =	vmul.f32 $5.120000000e+02, v21;
	v21 =	vld [tilespmem:s2+$0x0]  }
0xae: {  	v20 =	vadd.f32 v20, v31;
	v31 =	vadd.s32 $0x13, v26;
	v26 =	vadd.s32 $0x14, v26  }
0xaf: {  	v34 =	vadd.f32 $0.0e+00, v34;
	v42 =	vsub.f32 v55, v27;
	v19 =	vmul.f32 v22, v19;
	v38 =	vld.idx.msk [tilespmem:v60+s17+$0x0], $0xffff  }
0xb0: {  	v62 =	vtrunc.f32 v45;
	v20 =	vmul.f32 v28, v20;
	v27 =	vld.idx.msk [tilespmem:v61+s17+$0x0], $0xffff;
	v9 =	vmax.f32 v9, $-9.998999830e-01  }
0xb1: {  	v40 =	vmul.f32 $5.000000000e-01, v8;
	v44 =	vcvt.f32.s32 v62;
	v49 =	vld.idx.msk [tilespmem:v6+s17+$0x0], $0xffff;
	v32 =	vmin.f32 v9, $9.998999830e-01  }
0xb2: {  	v43 =	vld.idx.msk [tilespmem:v43+s17+$0x0], $0xffff;
	v19 =	vadd.f32 v19, v20;
	v63 =	vadd.f32 $1.000000000e+00, v32;
	v6 =	vmax.f32 v21, $-9.998999830e-01  }
0xb3: {  	v9 =	vmul.f32 v40, v8;
	v41 =	vmul.u32 $0xC, v44;
	v26 =	vld.idx.msk [tilespmem:v26+s17+$0x0], $0xffff;
	v6 =	vmin.f32 v6, $9.998999830e-01  }
0xb4: {  	v61 =	vcvt.s32.f32 v44;
	v21 =	vld.idx.msk [tilespmem:v31+s17+$0x0], $0xffff;
	v50 =	vmul.f32 $5.120000000e+02, v63;
	v31 =	vadd.f32 $1.000000000e+00, v6  }
0xb5: {  	v22 =	vor.u32 $0x3, v41;
	v28 =	vadd.s32 $0xF, v41;
	v20 =	vmul.f32 $5.000000000e-01, v6  }
0xb6: {  	p3 =	sgt.u32 s23, $0x4;
	v27 =	vsub.f32 v27, v38;
	v35 =	vtrunc.f32 v50;
	v51 =	vmul.f32 $5.120000000e+02, v31  }
.Ltmp1:
0xb7: {  	v63 =	vadd.f32 v1, v34;
	v1 =	vmul.f32 v20, v6;
	v54 =	vcvt.f32.s32 v35;
	(pc) =	sbr.rel @!p3 .LBB2_4-.Ltmp1, $4  }
0xb8: {  	v34 =	vsub.f32 v19, v57;
	v20 =	vmul.f32 v42, v27;
	v19 =	vtrunc.f32 v51  }
0xb9: {  	v53 =	vsub.f32 v26, v43;
	v47 =	vmul.u32 $0xC, v54;
	v57 =	vcvt.f32.s32 v19  }
0xba: {  	v58 =	vadd.s32 $0x4, v41;
	v56 =	vsub.f32 v21, v49;
	v55 =	vld.idx.msk [tilespmem:v22+s17+$0x0], $0xffff;
	v38 =	vadd.f32 v20, v38  }
0xbb: {  	p1 =	por $0x1, $0x1;
	s2 =	sor.u32 s24, s30;
	s24 =	simm.s32 $0x100;
	v60 =	vld.idx.msk [tilespmem:v28+s17+$0x0], $0xffff;
	v62 =	vadd.s32 $0x9, v47;
	v52 =	vmul.u32 $0xC, v57;
	v40 =	vadd.s32 $0x15, v47  }
0xbc: {  	_ =	sdelay $0x3  }
0xbd: {  	v19 =	vadd.s32 $0x10, v41;
	v20 =	vsub.f32 v45, v61;
	v21 =	vsub.f32 v60, v55  }
0xbe: {  	s20 =	simm.s32 $0x40;
	v28 =	vld.idx.msk [tilespmem:v58+s17+$0x0], $0xffff  }
0xbf: {  	v26 =	vld [tilespmem:s20+$0x10];
	v21 =	vmul.f32 v20, v21  }
0xc0: {  	v36 =	vld.idx.msk [tilespmem:v62+s17+$0x0], $0xffff  }
0xc1: {  	v40 =	vld.idx.msk [tilespmem:v40+s17+$0x0], $0xffff;
	v21 =	vadd.f32 v21, v55  }
0xc2: {  	(erf) = vrcp.f32 v38;
	v48 =	vld.idx.msk [tilespmem:v19+s17+$0x0], $0xffff  }
0xc3: {  	v62 =	vmul.f32 v42, v56;
	(erf) = vrcp.f32 v21  }
0xc4: {  	v22 =	vcvt.s32.f32 v57;
	v21 =	vmax.f32 v26, $-9.998999830e-01;
	v26 =	vcvt.s32.f32 v54  }
0xc5: {  	v57 =	vadd.s32 $0xA, v47;
	v11 =	vsub.f32 v11, v7;
	v38 =	vadd.f32 v62, v49  }
0xc6: {  	v58 =	vadd.s32 $0x16, v47;
	v49 =	vsub.f32 v50, v26;
	v26 =	vsub.f32 v40, v36  }
0xc7: {  	v0 =	vmul.f32 v11, v0;
	v11 =	vadd.s32 $0x17, v47;
	v48 =	vsub.f32 v48, v28  }
0xc8: {  	v56 =	vmul.f32 v53, v42;
	v62 =	vadd.s32 $0x5, v41;
	v26 =	vmul.f32 v49, v26  }
0xc9: {  	v60 =	vld [tilespmem:s20+$0x0];
	v40 =	vadd.s32 $0xB, v47;
	v48 =	vmul.f32 v20, v48  }
0xca: {  	v19 =	vadd.f32 v56, v43;
	v42 =	vld.idx.msk [tilespmem:v57+s17+$0x0], $0xffff;
	v56 =	vadd.s32 $0x11, v41  }
0xcb: {  	v2 =	vsub.f32 v2, v25;
	v58 =	vld.idx.msk [tilespmem:v58+s17+$0x0], $0xffff;
	v43 =	vpop (erf);
	v28 =	vadd.f32 v48, v28  }
0xcc: {  	v3 =	vmul.f32 v3, v59;
	v0 =	vadd.f32 v0, v7;
	v11 =	vld.idx.msk [tilespmem:v11+s17+$0x0], $0xffff;
	v7 =	vadd.f32 v26, v36;
	v26 =	vpop (erf)  }
0xcd: {  	v2 =	vmul.f32 v2, v29;
	v29 =	vld.idx.msk [tilespmem:v62+s17+$0x0], $0xffff;
	v28 =	vmul.f32 v26, v28  }
0xce: {  	v39 =	vmul.f32 $5.000000000e-01, v5;
	v33 =	vsub.f32 v33, v30;
	v0 =	vmul.f32 v4, v0;
	v40 =	vld.idx.msk [tilespmem:v40+s17+$0x0], $0xffff  }
0xcf: {  	v24 =	vmul.f32 v24, v37;
	(erf) = vrcp.f32 v7;
	v7 =	vadd.f32 v2, v25;
	v2 =	vld.idx.msk [tilespmem:v56+s17+$0x0], $0xffff;
	[tilespmem:s29+$0x80] =	vst v28  }
0xd0: {  	v31 =	vor.u32 $0x3, v52;
	v15 =	vmul.f32 v33, v15;
	v0 =	vadd.f32 v3, v0;
	v3 =	vld [tilespmem:$0x1FFE0]  }
0xd1: {  	v35 =	vadd.s32 $0x4, v52;
	v44 =	vadd.s32 $0x10, v52;
	v4 =	vmax.f32 v60, $-9.998999830e-01;
	v60 =	vld [tilespmem:$0x1FFD0]  }
0xd2: {  	v45 =	vadd.s32 $0x5, v52;
	v15 =	vadd.f32 v15, v30;
	v21 =	vmin.f32 v21, $9.998999830e-01  }
0xd3: {  	v46 =	vadd.s32 $0x11, v52;
	v57 =	vmul.f32 $5.000000000e-01, v59;
	v61 =	vadd.f32 $1.000000000e+00, v21  }
0xd4: {  	s0 =	sadd.s32 $0x3100, s6;
	v27 =	vsub.f32 v51, v22;
	v22 =	vadd.s32 $0xF, v52;
	v15 =	vmul.f32 v23, v15  }
0xd5: {  	s7 =	sor.u32 s3, s0;
	v47 =	vmul.f32 $5.120000000e+02, v61;
	v36 =	vsub.f32 v58, v42;
	v25 =	vmul.f32 v57, v59  }
0xd6: {  	v11 =	vsub.f32 v11, v40;
	v62 =	vld [tilespmem:s7+$0x0];
	v3 =	vmul.f32 v3, v5;
	v7 =	vmul.f32 v60, v7  }
0xd7: {  	v15 =	vadd.f32 v24, v15;
	v61 =	vtrunc.f32 v47;
	v0 =	vsub.f32 v0, v25  }
0xd8: {  	v11 =	vmul.f32 v11, v49;
	v3 =	vadd.f32 v3, v7;
	v7 =	vmul.f32 v49, v36  }
0xd9: {  	v19 =	vmul.f32 v43, v19;
	v30 =	vcvt.f32.s32 v61;
	v0 =	vadd.f32 $0.0e+00, v0  }
0xda: {  	v11 =	vadd.f32 v11, v40;
	v5 =	vmul.f32 v39, v5;
	v7 =	vadd.f32 v7, v42  }
0xdb: {  	v23 =	vld.idx.msk [tilespmem:v22+s17+$0x0], $0xffff;
	v22 =	vmax.f32 v62, $-9.998999830e-01;
	v48 =	vpop (erf);
	v39 =	vmul.u32 $0xC, v30;
	v42 =	vmul.f32 $5.000000000e-01, v37  }
0xdc: {  	v11 =	vmul.f32 v48, v11;
	v3 =	vsub.f32 v3, v5;
	v5 =	vld.idx.msk [tilespmem:v31+s17+$0x0], $0xffff;
	v25 =	vmul.f32 v48, v7  }
0xdd: {  	v49 =	vmul.f32 $5.000000000e-01, v32;
	v51 =	vadd.s32 $0xC, v39;
	v7 =	vmul.f32 v42, v37  }
0xde: {  	v35 =	vld.idx.msk [tilespmem:v35+s17+$0x0], $0xffff;
	v55 =	vor.u32 $0x1, v39;
	v59 =	vadd.s32 $0xD, v39;
	v24 =	vmul.f32 v25, v32  }
0xdf: {  	v31 =	vmin.f32 v22, $9.998999830e-01;
	v0 =	vadd.f32 v3, v0;
	v3 =	vsub.f32 v15, v7;
	v7 =	vld.idx.msk [tilespmem:v44+s17+$0x0], $0xffff  }
0xe0: {  	v22 =	vmin.f32 v4, $9.998999830e-01;
	v50 =	vadd.f32 $1.000000000e+00, v31;
	v4 =	vadd.f32 v24, v11  }
0xe1: {  	v11 =	vsub.f32 v23, v5;
	v23 =	vmul.f32 v49, v32;
	v24 =	vadd.f32 $1.000000000e+00, v22  }
0xe2: {  	v52 =	vld.idx.msk [tilespmem:v46+s17+$0x0], $0xffff;
	v36 =	vmul.f32 $5.120000000e+02, v50;
	v32 =	vadd.f32 $0.0e+00, v34;
	v0 =	vadd.f32 v3, v0  }
0xe3: {  	v15 =	vld.idx.msk [tilespmem:v45+s17+$0x0], $0xffff;
	v11 =	vmul.f32 v27, v11;
	v3 =	vsub.f32 v4, v23;
	v4 =	vmul.f32 $5.120000000e+02, v24  }
0xe4: {  	v23 =	vtrunc.f32 v36;
	v24 =	vmul.f32 v43, v38;
	v7 =	vsub.f32 v7, v35  }
0xe5: {  	v53 =	vld.idx.msk [tilespmem:v39+s17+$0x0], $0xffff;
	v23 =	vcvt.f32.s32 v23;
	v5 =	vadd.f32 v11, v5;
	v11 =	vtrunc.f32 v4  }
0xe6: {  	v37 =	vadd.f32 v3, v0;
	v3 =	vld.idx.msk [tilespmem:v51+s17+$0x0], $0xffff;
	v8 =	vmul.f32 v24, v8;
	v0 =	vcvt.f32.s32 v11  }
0xe7: {  	[tilespmem:s21+$0x100] =	vst v24;
	v33 =	vmul.u32 $0xC, v23;
	v11 =	vmul.f32 $5.000000000e-01, v22;
	(erf) = vrcp.f32 v5  }
0xe8: {  	v56 =	vld [tilespmem:s2+$0x0];
	v5 =	vmul.f32 v27, v7;
	v7 =	vsub.f32 v52, v15;
	v54 =	vcvt.s32.f32 v0  }
0xe9: {  	v57 =	vmul.u32 $0xC, v0;
	v58 =	vadd.s32 $0x6, v33;
	v0 =	vcvt.s32.f32 v30  }
0xea: {  	v40 =	vld.idx.msk [tilespmem:v55+s17+$0x0], $0xffff;
	v8 =	vadd.f32 v8, v19;
	v30 =	vadd.s32 $0x12, v33;
	v5 =	vadd.f32 v5, v35  }
0xeb: {  	v35 =	vld.idx.msk [tilespmem:v59+s17+$0x0], $0xffff;
	v0 =	vsub.f32 v47, v0;
	v3 =	vsub.f32 v3, v53  }
0xec: {  	v34 =	vmul.f32 v11, v22;
	v7 =	vmul.f32 v7, v27;
	v60 =	vadd.s32 $0xC, v57  }
0xed: {  	v46 =	vsub.f32 v4, v54;
	v27 =	vmax.f32 v56, $-9.998999830e-01;
	v3 =	vmul.f32 v0, v3  }
0xee: {  	v4 =	vor.u32 $0x1, v57;
	v7 =	vadd.f32 v7, v15;
	v27 =	vmin.f32 v27, $9.998999830e-01;
	v62 =	vld.idx.msk [tilespmem:v58+s17+$0x0], $0xffff  }
0xef: {  	v61 =	vadd.s32 $0xD, v57;
	v11 =	vld.idx.msk [tilespmem:v30+s17+$0x0], $0xffff;
	v24 =	vadd.f32 $1.000000000e+00, v27;
	v3 =	vadd.f32 v3, v53  }
0xf0: {  	v15 =	vcvt.s32.f32 v23;
	v48 =	vmul.f32 $5.000000000e-01, v27;
	v42 =	vld.idx.msk [tilespmem:v57+s17+$0x0], $0xffff;
	v35 =	vsub.f32 v35, v40  }
0xf1: {  	v49 =	vor.u32 $0x2, v57;
	v50 =	vld.idx.msk [tilespmem:v60+s17+$0x0], $0xffff;
	v24 =	vmul.f32 $5.120000000e+02, v24;
	v30 =	vpop (erf);
	(erf) = vrcp.f32 v3  }
0xf2: {  	v23 =	vadd.s32 $0x7, v33;
	v35 =	vmul.f32 v0, v35;
	v5 =	vmul.f32 v30, v5  }
0xf3: {  	v15 =	vsub.f32 v36, v15;
	v7 =	vmul.f32 v30, v7;
	v19 =	vtrunc.f32 v24  }
0xf4: {  	v30 =	vld.idx.msk [tilespmem:v4+s17+$0x0], $0xffff;
	v4 =	vadd.s32 $0x13, v33;
	v11 =	vsub.f32 v11, v62;
	v52 =	vcvt.f32.s32 v19  }
0xf5: {  	s0 =	sor.u32 s5, s0;
	v3 =	vadd.s32 $0xE, v57;
	v19 =	vmul.f32 v48, v27;
	v6 =	vmul.f32 v5, v6;
	[tilespmem:s31+$0x80] =	vst v5  }
0xf6: {  	v5 =	vmul.f32 v15, v11;
	v11 =	vor.u32 $0x2, v39;
	v53 =	vld [tilespmem:s0+$0x0];
	v44 =	vsub.f32 v50, v42  }
0xf7: {  	v51 =	vld.idx.msk [tilespmem:v61+s17+$0x0], $0xffff;
	v39 =	vadd.s32 $0xE, v39;
	v54 =	vcvt.s32.f32 v52;
	v45 =	vmul.u32 $0xC, v52  }
0xf8: {  	v23 =	vld.idx.msk [tilespmem:v23+s17+$0x0], $0xffff;
	v6 =	vadd.f32 v6, v7;
	v5 =	vadd.f32 v5, v62;
	v7 =	vmul.f32 v46, v44  }
0xf9: {  	v35 =	vadd.f32 v35, v40;
	v55 =	vld.idx.msk [tilespmem:v4+s17+$0x0], $0xffff;
	v44 =	vsub.f32 v8, v9;
	v9 =	vadd.s32 $0x9, v45  }
0xfa: {  	s10 =	sand.u32 $0x7FFFFE00, s24;
	v43 =	vld.idx.msk [tilespmem:v49+s17+$0x0], $0xffff;
	v47 =	vsub.f32 v24, v54;
	(erf) = vrcp.f32 v5;
	v8 =	vadd.f32 v7, v42  }
0xfb: {  	s11 =	simm.s32 $0x40;
	s0 =	simm.s32 $0x50;
	v56 =	vld.idx.msk [tilespmem:v3+s17+$0x0], $0xffff;
	v24 =	vadd.s32 $0xA, v45;
	v5 =	vadd.s32 $0x15, v45;
	v4 =	vpop (erf);
	v58 =	vmax.f32 v53, $-9.998999830e-01  }
0xfc: {  	s8 =	sadd.s32 $0x9280, s10;
	s26 =	sand.u32 $0x7FFFFF80, s11;
	s25 =	sand.u32 $0x70, s0;
	v7 =	vld.idx.msk [tilespmem:v11+s17+$0x0], $0xffff;
	v3 =	vmul.f32 v4, v35;
	(erf) = vrcp.f32 v8;
	v8 =	vmin.f32 v58, $9.998999830e-01  }
0xfd: {  	s9 =	sadd.s32 $0x1880, s26;
	v57 =	vsub.f32 v51, v30;
	s30 =	sor.u32 s25, s8;
	v59 =	vadd.s32 $0x16, v45;
	v11 =	vld.idx.msk [tilespmem:v39+s17+$0x0], $0xffff;
	v54 =	vadd.f32 $1.000000000e+00, v8  }
0xfe: {  	s24 =	sor.u32 s25, s9;
	v62 =	vadd.s32 $0xB, v45;
	v61 =	vsub.f32 v55, v23;
	v48 =	vld.idx.msk [tilespmem:v9+s17+$0x0], $0xffff;
	v9 =	vadd.s32 $0x8, v33;
	[tilespmem:s30+$0x0] =	vst v3  }
0xff: {  	v1 =	vsub.f32 v6, v1;
	v45 =	vadd.s32 $0x17, v45;
	v60 =	vld [tilespmem:s24+$0x0];
	v42 =	vmul.f32 $5.120000000e+02, v54  }
0x100: {  	v35 =	vmul.f32 v46, v57;
	v40 =	vsub.f32 v56, v43;
	v50 =	vld.idx.msk [tilespmem:v24+s17+$0x0], $0xffff;
	v39 =	vmul.f32 v15, v61  }
0x101: {  	v33 =	vadd.s32 $0x14, v33;
	v56 =	vmul.f32 $5.000000000e-01, v8;
	v55 =	vld.idx.msk [tilespmem:v5+s17+$0x0], $0xffff;
	v5 =	vtrunc.f32 v42  }
0x102: {  	v36 =	vadd.f32 v1, v32;
	v38 =	vld.idx.msk [tilespmem:v59+s17+$0x0], $0xffff;
	v24 =	vadd.f32 v39, v23;
	v57 =	vcvt.f32.s32 v5  }
0x103: {  	v35 =	vadd.f32 v35, v30;
	v40 =	vmul.f32 v40, v46;
	v30 =	vld.idx.msk [tilespmem:v9+s17+$0x0], $0xffff;
	v9 =	vmul.f32 v56, v8;
	v23 =	vpop (erf)  }
0x104: {  	v1 =	vld.idx.msk [tilespmem:v45+s17+$0x0], $0xffff;
	v6 =	vmax.f32 v60, $-9.998999830e-01;
	v24 =	vmul.f32 v23, v24;
	v41 =	vmul.u32 $0xC, v57  }
0x105: {  	s2 =	sadd.s32 $0x4980, s6;
	v39 =	vld.idx.msk [tilespmem:v62+s17+$0x0], $0xffff;
	v59 =	vcvt.s32.f32 v57;
	v5 =	vmin.f32 v6, $9.998999830e-01;
	v6 =	vadd.f32 v40, v43;
	v43 =	vpop (erf)  }
0x106: {  	s10 =	sor.u32 s3, s2;
	s24 =	sand.u32 $0x60, s11;
	v33 =	vld.idx.msk [tilespmem:v33+s17+$0x0], $0xffff;
	v58 =	vadd.f32 $1.000000000e+00, v5;
	[tilespmem:s29+$0x100] =	vst v24;
	v35 =	vmul.f32 v43, v35;
	v51 =	vadd.s32 $0x12, v41  }
0x107: {  	s6 =	sor.u32 s24, s8;
	v46 =	vsub.f32 v55, v48;
	v57 =	vsub.f32 v38, v50;
	v60 =	vadd.s32 $0x6, v41;
	v40 =	vld [tilespmem:s10+$0x0]  }
0x108: {  	s11 =	sor.u32 s24, s9;
	v42 =	vsub.f32 v42, v59;
	v52 =	vadd.s32 $0x7, v41;
	v45 =	vmul.f32 $5.120000000e+02, v58;
	[tilespmem:s6+$0x0] =	vst v35  }
0x109: {  	v53 =	vadd.s32 $0x13, v41;
	v54 =	vadd.s32 $0x8, v41;
	v46 =	vmul.f32 v47, v46;
	v62 =	vld [tilespmem:s11+$0x0]  }
0x10a: {  	v56 =	vadd.s32 $0x14, v41;
	v1 =	vsub.f32 v1, v39;
	v61 =	vtrunc.f32 v45  }
0x10b: {  	v22 =	vmul.f32 v35, v22;
	v46 =	vadd.f32 v46, v48;
	v59 =	vcvt.f32.s32 v61;
	v38 =	vld.idx.msk [tilespmem:v51+s17+$0x0], $0xffff  }
0x10c: {  	v1 =	vmul.f32 v1, v47;
	v58 =	vmax.f32 v40, $-9.998999830e-01;
	v40 =	vld.idx.msk [tilespmem:v60+s17+$0x0], $0xffff;
	v60 =	vmul.f32 v43, v6  }
0x10d: {  	v49 =	vld.idx.msk [tilespmem:v52+s17+$0x0], $0xffff;
	v6 =	vmul.f32 v47, v57;
	v41 =	vmul.u32 $0xC, v59;
	v32 =	vmin.f32 v58, $9.998999830e-01  }
0x10e: {  	(erf) = vrcp.f32 v46;
	v53 =	vld.idx.msk [tilespmem:v53+s17+$0x0], $0xffff;
	v61 =	vadd.f32 $1.000000000e+00, v32;
	v62 =	vmax.f32 v62, $-9.998999830e-01  }
0x10f: {  	v43 =	vld.idx.msk [tilespmem:v54+s17+$0x0], $0xffff;
	v46 =	vadd.f32 v6, v50;
	v47 =	vadd.f32 v22, v60;
	v35 =	vor.u32 $0x3, v41  }
0x110: {  	v60 =	vld.idx.msk [tilespmem:v56+s17+$0x0], $0xffff;
	v52 =	vadd.s32 $0xF, v41;
	v6 =	vmin.f32 v62, $9.998999830e-01;
	v50 =	vmul.f32 $5.120000000e+02, v61  }
0x111: {  	v22 =	vadd.f32 v44, v63;
	v57 =	vadd.f32 $1.000000000e+00, v6  }
0x112: {  	v58 =	vmul.f32 $5.000000000e-01, v6;
	v38 =	vsub.f32 v38, v40;
	v62 =	vtrunc.f32 v50  }
0x113: {  	p3 =	sgt.u32 s23, $0x6;
	v44 =	vadd.f32 v1, v39;
	v51 =	vmul.f32 $5.120000000e+02, v57;
	v54 =	vcvt.f32.s32 v62  }
.Ltmp2:
0x114: {  	v34 =	vsub.f32 v47, v34;
	v56 =	vsub.f32 v53, v49;
	v38 =	vmul.f32 v42, v38;
	v55 =	vld.idx.msk [tilespmem:v35+s17+$0x0], $0xffff;
	(pc) =	sbr.rel @!p3 .LBB2_6-.Ltmp2, $4  }
0x115: {  	v53 =	vsub.f32 v60, v43;
	v63 =	vtrunc.f32 v51;
	v60 =	vld.idx.msk [tilespmem:v52+s17+$0x0], $0xffff;
	v47 =	vmul.u32 $0xC, v54  }
0x116: {  	v1 =	vmul.f32 v58, v6;
	v58 =	vadd.s32 $0x4, v41;
	v57 =	vcvt.f32.s32 v63  }
0x117: {  	p2 =	por $0x1, $0x1;
	[tilespmem:s28+$0x180] =	vst v25;
	v38 =	vadd.f32 v38, v40;
	v62 =	vadd.s32 $0x9, v47  }
0x118: {  	s28 =	simm.s32 $0x180;
	s3 =	simm.s32 $0x6;
	[tilespmem:s1+$0xF490] =	vst v37;
	s2 =	sor.u32 s5, s2;
	v61 =	vcvt.s32.f32 v59;
	v48 =	vpop (erf);
	v52 =	vmul.u32 $0xC, v57;
	v40 =	vadd.s32 $0x15, v47  }
.LBB2_7:
0x119: {  	s5 =	sshra.s32 s28, $0x2;
	v25 =	vcvt.s32.f32 v57;
	v35 =	vadd.s32 $0x10, v41;
	(erf) = vrcp.f32 v38  }
0x11a: {  	v39 =	vsub.f32 v60, v55;
	v57 =	vld [tilespmem:s5+$0x10];
	v38 =	vor.u32 $0x3, v52;
	v45 =	vsub.f32 v45, v61  }
0x11b: {  	v59 =	vadd.s32 $0x4, v52;
	v37 =	vsub.f32 v51, v25;
	v51 =	vadd.s32 $0xF, v52;
	v58 =	vld.idx.msk [tilespmem:v58+s17+$0x0], $0xffff  }
0x11c: {  	v60 =	vadd.s32 $0x10, v52;
	v61 =	vadd.s32 $0x5, v52;
	v25 =	vmul.f32 v45, v39;
	v62 =	vld.idx.msk [tilespmem:v62+s17+$0x0], $0xffff  }
0x11d: {  	v52 =	vadd.s32 $0x11, v52;
	v39 =	vmul.f32 v42, v56;
	v42 =	vmul.f32 v53, v42;
	v53 =	vld.idx.msk [tilespmem:v40+s17+$0x0], $0xffff  }
0x11e: {  	v46 =	vmul.f32 v48, v46;
	v40 =	vadd.f32 v25, v55;
	v55 =	vld.idx.msk [tilespmem:v35+s17+$0x0], $0xffff;
	v35 =	vmul.f32 v48, v44  }
0x11f: {  	v44 =	vadd.f32 v39, v49;
	v39 =	vadd.f32 v42, v43;
	v48 =	vld [tilespmem:s5+$0x0]  }
0x120: {  	v25 =	vadd.f32 $0.0e+00, v34;
	v42 =	vld.idx.msk [tilespmem:v38+s17+$0x0], $0xffff;
	(erf) = vrcp.f32 v40;
	v38 =	vmul.f32 v46, v27;
	[tilespmem:s21+$0x180] =	vst v46;
	s21 =	smov.u32 s31;
	s31 =	smov.u32 s6  }
0x121: {  	v34 =	vcvt.s32.f32 v54;
	v27 =	vmax.f32 v57, $-9.998999830e-01;
	v46 =	vadd.s32 $0xA, v47;
	v43 =	vld.idx.msk [tilespmem:v51+s17+$0x0], $0xffff  }
0x122: {  	v54 =	vadd.s32 $0x16, v47;
	v49 =	vmin.f32 v27, $9.998999830e-01;
	v51 =	vsub.f32 v17, v16;
	v27 =	vld.idx.msk [tilespmem:v59+s17+$0x0], $0xffff;
	v40 =	vpop (erf)  }
0x123: {  	v50 =	vsub.f32 v50, v34;
	v17 =	vmovc v11;
	v34 =	vsub.f32 v53, v62;
	v53 =	vadd.s32 $0xB, v47;
	v56 =	vld.idx.msk [tilespmem:v60+s17+$0x0], $0xffff  }
0x124: {  	v47 =	vadd.s32 $0x17, v47;
	v55 =	vsub.f32 v55, v58;
	v51 =	vmul.f32 v51, v12;
	v12 =	vmovc v0;
	v11 =	vld.idx.msk [tilespmem:v61+s17+$0x0], $0xffff  }
0x125: {  	v57 =	vmul.f32 $5.000000000e-01, v10;
	v0 =	vadd.f32 $1.000000000e+00, v49;
	v34 =	vmul.f32 v50, v34;
	v52 =	vld.idx.msk [tilespmem:v52+s17+$0x0], $0xffff  }
0x126: {  	v59 =	vadd.s32 $0x5, v41;
	v55 =	vmul.f32 v45, v55;
	v51 =	vadd.f32 v51, v16;
	v16 =	vmovc v7;
	v46 =	vld.idx.msk [tilespmem:v46+s17+$0x0], $0xffff  }
0x127: {  	v2 =	vsub.f32 v2, v29;
	v7 =	vadd.s32 $0x11, v41;
	v34 =	vadd.f32 v34, v62;
	v41 =	vld.idx.msk [tilespmem:v54+s17+$0x0], $0xffff  }
0x128: {  	v0 =	vmul.f32 $5.120000000e+02, v0;
	v54 =	vadd.f32 v55, v58;
	v51 =	vmul.f32 v13, v51;
	v13 =	vmovc v4;
	v53 =	vld.idx.msk [tilespmem:v53+s17+$0x0], $0xffff  }
0x129: {  	v2 =	vmul.f32 v2, v20;
	v4 =	vmax.f32 v48, $-9.998999830e-01;
	v48 =	vpop (erf);
	v47 =	vld.idx.msk [tilespmem:v47+s17+$0x0], $0xffff;
	(erf) = vrcp.f32 v34  }
0x12a: {  	v20 =	vmovc v45;
	v34 =	vmin.f32 v4, $9.998999830e-01;
	v4 =	vmul.f32 v48, v54;
	v54 =	vmul.f32 v14, v10;
	v14 =	vmovc v3  }
0x12b: {  	s7 =	sadd.s32 $0x3100, s26;
	v45 =	vmul.f32 v57, v10;
	v55 =	vadd.f32 v2, v29;
	v3 =	vtrunc.f32 v0;
	v10 =	vmovc v21;
	v29 =	vld.idx.msk [tilespmem:v59+s17+$0x0], $0xffff  }
0x12c: {  	v33 =	vsub.f32 v33, v30;
	s6 =	sor.u32 s24, s7;
	s7 =	sor.u32 s25, s7;
	v2 =	vld.idx.msk [tilespmem:v7+s17+$0x0], $0xffff;
	[tilespmem:s30+$0x80] =	vst v4;
	v7 =	vadd.f32 v54, v51;
	v51 =	vmul.f32 $5.000000000e-01, v18  }
0x12d: {  	s3 =	sadd.s32 $0x2, s3;
	v57 =	vmul.f32 v28, v18;
	v55 =	vmul.f32 v26, v55;
	v21 =	vmovc v49;
	v41 =	vsub.f32 v41, v46;
	v54 =	vld [tilespmem:s7+$0x0]  }
0x12e: {  	p3 =	slt.u32 s3, s23;
	v15 =	vmul.f32 v33, v15;
	v26 =	vmovc v48;
	v7 =	vsub.f32 v7, v45;
	v45 =	vmul.f32 v51, v18  }
0x12f: {  	v33 =	vadd.f32 v57, v55;
	v28 =	vmovc v4;
	v48 =	vmul.f32 v50, v41;
	v47 =	vsub.f32 v47, v53  }
0x130: {  	v3 =	vcvt.f32.s32 v3;
	v18 =	vmovc v5;
	v4 =	vadd.f32 $0.0e+00, v7;
	v7 =	vadd.f32 v15, v30  }
0x131: {  	v5 =	vsub.f32 v33, v45;
	v15 =	vadd.f32 v48, v46;
	v30 =	vmul.f32 v47, v50  }
0x132: {  	v33 =	vmax.f32 v54, $-9.998999830e-01;
	v7 =	vmul.f32 v23, v7;
	v23 =	vmul.f32 $5.000000000e-01, v31;
	v41 =	vpop (erf)  }
0x133: {  	v24 =	vmul.f32 v24, v31;
	v30 =	vadd.f32 v30, v53;
	v15 =	vmul.f32 v41, v15  }
0x134: {  	v23 =	vmul.f32 v23, v31;
	v31 =	vmin.f32 v33, $9.998999830e-01;
	v33 =	vmul.f32 $5.000000000e-01, v32  }
0x135: {  	v7 =	vadd.f32 v24, v7;
	v30 =	vmul.f32 v41, v30;
	v24 =	vmul.f32 v15, v32  }
0x136: {  	v4 =	vadd.f32 v5, v4;
	v41 =	vmul.u32 $0xC, v3;
	v45 =	vadd.f32 $1.000000000e+00, v31  }
0x137: {  	v5 =	vsub.f32 v7, v23;
	v23 =	vmul.f32 v33, v32;
	v7 =	vadd.f32 v24, v30  }
0x138: {  	v32 =	vsub.f32 v43, v42;
	v24 =	vadd.f32 $1.000000000e+00, v34;
	v30 =	vadd.s32 $0xC, v41  }
0x139: {  	v33 =	vmul.f32 $5.120000000e+02, v45;
	v4 =	vadd.f32 v5, v4;
	v5 =	vsub.f32 v7, v23  }
0x13a: {  	v7 =	vmul.f32 $5.120000000e+02, v24;
	v23 =	vmul.f32 v37, v32;
	v24 =	vsub.f32 v56, v27  }
0x13b: {  	v43 =	vmul.f32 v40, v44;
	v32 =	vtrunc.f32 v33;
	v4 =	vadd.f32 v5, v4  }
0x13c: {  	v32 =	vcvt.f32.s32 v32;
	v5 =	vtrunc.f32 v7;
	v23 =	vadd.f32 v23, v42;
	v44 =	vld.idx.msk [tilespmem:v41+s17+$0x0], $0xffff;
	[tilespmem:s29+$0x180] =	vst v15;
	s29 =	smov.u32 s30  }
0x13d: {  	v24 =	vmul.f32 v37, v24;
	v42 =	vsub.f32 v52, v11;
	v15 =	vcvt.f32.s32 v5;
	v30 =	vld.idx.msk [tilespmem:v30+s17+$0x0], $0xffff;
	[tilespmem:s22+$0xF490] =	vst v4  }
0x13e: {  	v5 =	vmul.u32 $0xC, v32;
	v4 =	vmul.f32 $5.000000000e-01, v34;
	(erf) = vrcp.f32 v23;
	[tilespmem:s21+$0x100] =	vst v43  }
0x13f: {  	v45 =	vor.u32 $0x1, v41;
	v23 =	vcvt.s32.f32 v15;
	v15 =	vmul.u32 $0xC, v15;
	v46 =	vld [tilespmem:s2+$0x0]  }
0x140: {  	v24 =	vadd.f32 v24, v27;
	v27 =	vmul.f32 v42, v37;
	v37 =	vadd.s32 $0x6, v5  }
0x141: {  	v3 =	vcvt.s32.f32 v3;
	v47 =	vadd.s32 $0x12, v5;
	v42 =	vadd.s32 $0xC, v15  }
0x142: {  	v48 =	vadd.s32 $0xD, v41;
	v23 =	vsub.f32 v7, v23;
	v7 =	vor.u32 $0x1, v15  }
0x143: {  	v0 =	vsub.f32 v0, v3;
	v49 =	vadd.s32 $0xD, v15;
	v3 =	vsub.f32 v30, v44  }
0x144: {  	v50 =	vadd.s32 $0xE, v15;
	v30 =	vor.u32 $0x2, v15;
	v45 =	vld.idx.msk [tilespmem:v45+s17+$0x0], $0xffff;
	v46 =	vmax.f32 v46, $-9.998999830e-01  }
0x145: {  	v11 =	vadd.f32 v27, v11;
	v3 =	vmul.f32 v0, v3;
	v51 =	vld.idx.msk [tilespmem:v37+s17+$0x0], $0xffff;
	v27 =	vmin.f32 v46, $9.998999830e-01  }
0x146: {  	v8 =	vmul.f32 v43, v8;
	v37 =	vmul.f32 v4, v34;
	v4 =	vld.idx.msk [tilespmem:v47+s17+$0x0], $0xffff;
	v43 =	vadd.f32 $1.000000000e+00, v27  }
0x147: {  	v39 =	vmul.f32 v40, v39;
	v3 =	vadd.f32 v3, v44;
	v40 =	vmul.f32 $5.000000000e-01, v27;
	v44 =	vld.idx.msk [tilespmem:v48+s17+$0x0], $0xffff;
	v46 =	vpop (erf)  }
0x148: {  	v38 =	vadd.f32 v38, v35;
	v42 =	vld.idx.msk [tilespmem:v42+s17+$0x0], $0xffff;
	v24 =	vmul.f32 v46, v24;
	v43 =	vmul.f32 $5.120000000e+02, v43  }
0x149: {  	v8 =	vadd.f32 v8, v39;
	v47 =	vld.idx.msk [tilespmem:v15+s17+$0x0], $0xffff;
	(erf) = vrcp.f32 v3;
	v3 =	vmul.f32 v46, v11  }
0x14a: {  	v11 =	vld.idx.msk [tilespmem:v7+s17+$0x0], $0xffff;
	[tilespmem:s31+$0x80] =	vst v24;
	v7 =	vcvt.s32.f32 v32;
	v32 =	vadd.s32 $0x7, v5;
	v15 =	vtrunc.f32 v43  }
0x14b: {  	v6 =	vmul.f32 v24, v6;
	v24 =	vadd.s32 $0x13, v5;
	v39 =	vld.idx.msk [tilespmem:v49+s17+$0x0], $0xffff;
	v35 =	vcvt.f32.s32 v15  }
0x14c: {  	v40 =	vmul.f32 v40, v27;
	v4 =	vsub.f32 v4, v51;
	v30 =	vld.idx.msk [tilespmem:v30+s17+$0x0], $0xffff;
	v15 =	vsub.f32 v33, v7  }
0x14d: {  	v7 =	vsub.f32 v44, v45;
	v33 =	vld.idx.msk [tilespmem:v50+s17+$0x0], $0xffff;
	v44 =	vcvt.s32.f32 v35;
	v46 =	vmul.u32 $0xC, v35  }
0x14e: {  	v6 =	vadd.f32 v6, v3;
	v35 =	vsub.f32 v8, v9;
	v48 =	vld [tilespmem:s6+$0x0];
	v3 =	vmul.f32 v15, v4  }
0x14f: {  	v8 =	vor.u32 $0x2, v41;
	v49 =	vsub.f32 v42, v47;
	v7 =	vmul.f32 v0, v7;
	v32 =	vld.idx.msk [tilespmem:v32+s17+$0x0], $0xffff  }
0x150: {  	v9 =	vadd.s32 $0xE, v41;
	v41 =	vadd.s32 $0x9, v46;
	v3 =	vadd.f32 v3, v51;
	v24 =	vld.idx.msk [tilespmem:v24+s17+$0x0], $0xffff  }
0x151: {  	s0 =	sadd.s32 $0x20, s0;
	v42 =	vmul.f32 v23, v49;
	v39 =	vsub.f32 v39, v11;
	v7 =	vadd.f32 v7, v45  }
0x152: {  	s2 =	sand.u32 $0x7FFFFE00, s28;
	s6 =	sadd.s32 $0xFFFFFFF0, s0;
	v44 =	vsub.f32 v43, v44;
	v43 =	vadd.s32 $0x15, v46;
	v4 =	vpop (erf);
	(erf) = vrcp.f32 v3  }
0x153: {  	s9 =	sand.u32 $0x70, s0;
	s2 =	sadd.s32 $0x9280, s2;
	s10 =	sand.u32 $0x7FFFFF80, s6;
	v42 =	vadd.f32 v42, v47;
	v39 =	vmul.f32 v23, v39;
	v3 =	vmul.f32 v4, v7  }
0x154: {  	s30 =	sor.u32 s9, s2;
	s8 =	sand.u32 $0x60, s6;
	s11 =	sadd.s32 $0x1880, s10;
	v45 =	vadd.s32 $0xA, v46;
	v47 =	vadd.s32 $0x16, v46;
	v7 =	vld.idx.msk [tilespmem:v8+s17+$0x0], $0xffff;
	v8 =	vmax.f32 v48, $-9.998999830e-01  }
0x155: {  	s6 =	sor.u32 s8, s2;
	s7 =	sor.u32 s8, s11;
	s2 =	sor.u32 s9, s11;
	v39 =	vadd.f32 v39, v11;
	v11 =	vld.idx.msk [tilespmem:v9+s17+$0x0], $0xffff;
	[tilespmem:s30+$0x0] =	vst v3;
	(erf) = vrcp.f32 v42;
	v8 =	vmin.f32 v8, $9.998999830e-01  }
0x156: {  	v48 =	vadd.s32 $0xB, v46;
	v24 =	vsub.f32 v24, v32;
	v42 =	vld [tilespmem:s2+$0x0];
	v9 =	vadd.f32 $1.000000000e+00, v8  }
0x157: {  	v33 =	vsub.f32 v33, v30;
	v49 =	vmul.f32 $5.000000000e-01, v8;
	v50 =	vld.idx.msk [tilespmem:v41+s17+$0x0], $0xffff;
	v41 =	vadd.s32 $0x17, v46  }
0x158: {  	v51 =	vadd.s32 $0x8, v5;
	v24 =	vmul.f32 v15, v24;
	v46 =	vmul.f32 $5.120000000e+02, v9;
	v43 =	vld.idx.msk [tilespmem:v43+s17+$0x0], $0xffff  }
0x159: {  	v53 =	vmul.f32 v33, v23;
	v33 =	vadd.s32 $0x14, v5;
	v9 =	vmul.f32 v49, v8;
	v52 =	vld.idx.msk [tilespmem:v45+s17+$0x0], $0xffff  }
0x15a: {  	v1 =	vsub.f32 v6, v1;
	v6 =	vadd.f32 v24, v32;
	v5 =	vtrunc.f32 v46;
	v32 =	vld.idx.msk [tilespmem:v47+s17+$0x0], $0xffff  }
0x15b: {  	v47 =	vadd.f32 v53, v30;
	v24 =	vmax.f32 v42, $-9.998999830e-01;
	v30 =	vcvt.f32.s32 v5;
	v23 =	vpop (erf);
	v48 =	vld.idx.msk [tilespmem:v48+s17+$0x0], $0xffff  }
0x15c: {  	v1 =	vadd.f32 v1, v25;
	v5 =	vmin.f32 v24, $9.998999830e-01;
	v24 =	vmul.f32 v23, v6;
	v6 =	vld.idx.msk [tilespmem:v41+s17+$0x0], $0xffff  }
0x15d: {  	s11 =	sadd.s32 $0x4980, s26;
	s26 =	smov.u32 s10;
	v25 =	vadd.f32 $1.000000000e+00, v5;
	v41 =	vcvt.s32.f32 v30;
	v49 =	vmul.u32 $0xC, v30;
	v30 =	vld.idx.msk [tilespmem:v51+s17+$0x0], $0xffff  }
0x15e: {  	v38 =	vsub.f32 v38, v19;
	v19 =	vmov v40;
	s10 =	sor.u32 s25, s11;
	s25 =	smov.u32 s9;
	s2 =	sor.u32 s24, s11;
	v43 =	vsub.f32 v43, v50;
	v51 =	vpop (erf);
	v33 =	vld.idx.msk [tilespmem:v33+s17+$0x0], $0xffff;
	[tilespmem:s29+$0x100] =	vst v24  }
0x15f: {  	s24 =	smov.u32 s8;
	v39 =	vmul.f32 v51, v39;
	v45 =	vmul.f32 $5.120000000e+02, v25;
	v25 =	vadd.s32 $0x6, v49;
	v40 =	vld [tilespmem:s10+$0x0]  }
0x160: {  	v42 =	vsub.f32 v46, v41;
	v46 =	vadd.s32 $0x12, v49;
	v53 =	vadd.s32 $0x7, v49  }
0x161: {  	v54 =	vadd.s32 $0x13, v49;
	v55 =	vadd.s32 $0x8, v49;
	[tilespmem:s6+$0x0] =	vst v39;
	v41 =	vtrunc.f32 v45  }
0x162: {  	v57 =	vadd.s32 $0x14, v49;
	v43 =	vmul.f32 v44, v43;
	v56 =	vld [tilespmem:s7+$0x0];
	v59 =	vcvt.f32.s32 v41  }
0x163: {  	v34 =	vmul.f32 v39, v34;
	v39 =	vsub.f32 v32, v52;
	v58 =	vsub.f32 v6, v48  }
0x164: {  	v41 =	vmul.u32 $0xC, v59;
	v25 =	vld.idx.msk [tilespmem:v25+s17+$0x0], $0xffff;
	v6 =	vmax.f32 v40, $-9.998999830e-01;
	v40 =	vadd.f32 v43, v50  }
0x165: {  	v47 =	vmul.f32 v51, v47;
	v60 =	vld.idx.msk [tilespmem:v46+s17+$0x0], $0xffff;
	v32 =	vmin.f32 v6, $9.998999830e-01;
	v6 =	vmul.f32 v44, v39  }
0x166: {  	v39 =	vor.u32 $0x3, v41;
	v49 =	vld.idx.msk [tilespmem:v53+s17+$0x0], $0xffff;
	v50 =	vadd.f32 $1.000000000e+00, v32;
	(erf) = vrcp.f32 v40  }
0x167: {  	v53 =	vadd.s32 $0xF, v41;
	v40 =	vmax.f32 v56, $-9.998999830e-01;
	v56 =	vld.idx.msk [tilespmem:v54+s17+$0x0], $0xffff;
	v46 =	vadd.f32 v6, v52  }
0x168: {  	v6 =	vmin.f32 v40, $9.998999830e-01;
	v43 =	vld.idx.msk [tilespmem:v55+s17+$0x0], $0xffff;
	v50 =	vmul.f32 $5.120000000e+02, v50;
	v40 =	vmul.f32 v58, v44  }
0x169: {  	v34 =	vadd.f32 v34, v47;
	v47 =	vadd.f32 $1.000000000e+00, v6;
	v52 =	vmul.f32 $5.000000000e-01, v6;
	v61 =	vld.idx.msk [tilespmem:v57+s17+$0x0], $0xffff  }
0x16a: {  	v35 =	vadd.f32 v35, v36;
	v36 =	vmovc v1;
	v54 =	vtrunc.f32 v50;
	v44 =	vadd.f32 v40, v48  }
0x16b: {  	v51 =	vmul.f32 $5.120000000e+02, v47;
	v55 =	vld.idx.msk [tilespmem:v39+s17+$0x0], $0xffff;
	v39 =	vsub.f32 v60, v25;
	v54 =	vcvt.f32.s32 v54  }
.Ltmp3:
0x16c: {  	v34 =	vsub.f32 v34, v37;
	v37 =	vadd.f32 v38, v22;
	v1 =	vmul.f32 v52, v6;
	v60 =	vld.idx.msk [tilespmem:v53+s17+$0x0], $0xffff;
	(pc) =	sbr.rel @p3 .LBB2_7-.Ltmp3, $4  }
0x16d: {  	v22 =	vmovc v35;
	v38 =	vtrunc.f32 v51;
	v39 =	vmul.f32 v42, v39;
	v47 =	vmul.u32 $0xC, v54  }
0x16e: {  	v58 =	vadd.s32 $0x4, v41;
	v56 =	vsub.f32 v56, v49;
	v57 =	vcvt.f32.s32 v38;
	[tilespmem:s1+$0xF480] =	vst v37;
	s1 =	smov.u32 s22;
	s22 =	smov.u32 s20;
	s20 =	smov.u32 s5  }
0x16f: {  	v53 =	vsub.f32 v61, v43;
	v38 =	vadd.f32 v39, v25;
	v62 =	vadd.s32 $0x9, v47;
	v48 =	vpop (erf)  }
0x170: {  	s28 =	sadd.s32 $0x80, s28;
	v61 =	vcvt.s32.f32 v59;
	v40 =	vadd.s32 $0x15, v47;
	v52 =	vmul.u32 $0xC, v57  }
0x171: {  	[tilespmem:$0x1FFC0] =	vst v29  }
0x172: {  	[tilespmem:$0x1FF80] =	vst v13  }
0x173: {  	[tilespmem:$0x1FF90] =	vst v14  }
0x174: {  	[tilespmem:$0x1FFF0] =	vst v21  }
0x175: {  	[tilespmem:$0x1FFA0] =	vst v18  }
0x176: {  	[tilespmem:$0x1FFE0] =	vst v28  }
0x177: {  	s0 =	smov.u32 s21;
	[tilespmem:$0x1FFD0] =	vst v26  }
0x178: {  	s3 =	smov.u32 s1;
	s23 =	smov.u32 s31;
	s21 =	smov.u32 s6;
	[tilespmem:$0x1FFB0] =	vst v31  }
0x179: {  	v39 =	vmovc v17;
	v63 =	vmovc v16;
	v59 =	vmov v10;
	v37 =	vmov v20;
	v21 =	vmov v12;
	s28 =	smov.u32 s29;
	[tilespmem:$0x1FF70] =	vst v36;
	s1 =	smov.u32 s20;
	s9 =	simm.s32 $0x0  }
.LBB2_9:
0x17a: {  	_ =	sdelay $0x1  }
0x17b: {  	v14 =	vadd.s32 $0x10, v41;
	v10 =	vsub.f32 v45, v61;
	v16 =	vsub.f32 v60, v55  }
0x17c: {  	v12 =	vor.u32 $0x3, v52  }
0x17d: {  	v13 =	vadd.s32 $0xF, v52;
	v17 =	vld.idx.msk [tilespmem:v58+s17+$0x0], $0xffff;
	v16 =	vmul.f32 v10, v16  }
0x17e: {  	v18 =	vld.idx.msk @p1 [tilespmem:v62+s17+$0x0], $0xffff;
	[tilespmem:$0x1FF60] =	vst v10  }
0x17f: {  	v20 =	vld.idx.msk @p1 [tilespmem:v40+s17+$0x0], $0xffff;
	v16 =	vadd.f32 v16, v55  }
0x180: {  	(erf) = vrcp.f32 @p1 v38;
	v14 =	vld.idx.msk [tilespmem:v14+s17+$0x0], $0xffff  }
0x181: {  	v12 =	vld.idx.msk [tilespmem:v12+s17+$0x0], $0xffff;
	(erf) = vrcp.f32 v16  }
0x182: {  	v55 =	vadd.s32 $0x11, v41;
	v13 =	vld.idx.msk [tilespmem:v13+s17+$0x0], $0xffff;
	v16 =	vcvt.s32.f32 @p1 v54;
	_ =	sdelay $0x1  }
0x183: {  	v26 =	vcvt.s32.f32 v57;
	v45 =	vsub.f32 @p1 v50, v16  }
0x184: {  	v28 =	vadd.s32 $0x4, v52;
	v16 =	vsub.f32 @p1 v20, v18;
	v14 =	vsub.f32 v14, v17  }
0x185: {  	v36 =	vadd.s32 $0x5, v41;
	v31 =	vsub.f32 v51, v26;
	v54 =	vadd.s32 $0x10, v52  }
0x186: {  	v57 =	vld.idx.msk [tilespmem:v55+s17+$0x0], $0xffff;
	v13 =	vsub.f32 v13, v12;
	v16 =	vmul.f32 @p1 v45, v16;
	v14 =	vmul.f32 v10, v14;
	_ =	sdelay $0x1  }
0x187: {  	v26 =	vpop @p1 (erf);
	v13 =	vmul.f32 v31, v13;
	v16 =	vadd.f32 @p1 v16, v18;
	v14 =	vadd.f32 v14, v17  }
0x188: {  	v28 =	vld.idx.msk [tilespmem:v28+s17+$0x0], $0xffff;
	v18 =	vpop (erf)  }
0x189: {  	v20 =	vld.idx.msk [tilespmem:v54+s17+$0x0], $0xffff;
	v13 =	vadd.f32 v13, v12;
	(erf) = vrcp.f32 @p1 v16;
	v16 =	vmul.f32 v18, v14  }
0x18a: {  	s6 =	sadd.s32 $0x3100, s26;
	v17 =	vld.idx.msk [tilespmem:v36+s17+$0x0], $0xffff;
	[tilespmem:$0x1FF50] =	vst v57  }
0x18b: {  	s5 =	sor.u32 s25, s6;
	(erf) = vrcp.f32 v13;
	[tilespmem:s30+$0x80] =	vst v16  }
0x18c: {  	v58 =	vld [tilespmem:s5+$0x0];
	_ =	sdelay $0x2  }
0x18d: {  	v20 =	vsub.f32 v20, v28;
	_ =	sdelay $0x1  }
0x18e: {  	v60 =	vadd.s32 $0x5, v52;
	v20 =	vmul.f32 v31, v20;
	v13 =	vmax.f32 v58, $-9.998999830e-01  }
0x18f: {  	v61 =	vadd.s32 $0x11, v52;
	v36 =	vmul.f32 @p1 v42, v56;
	v13 =	vmin.f32 v13, $9.998999830e-01  }
0x190: {  	v20 =	vadd.f32 v20, v28;
	v50 =	vpop @p1 (erf);
	v62 =	vadd.f32 $1.000000000e+00, v13  }
0x191: {  	v36 =	vadd.f32 @p1 v36, v49;
	v38 =	vpop (erf)  }
0x192: {  	v40 =	vmul.f32 v38, v20;
	v51 =	vmul.f32 $5.120000000e+02, v62  }
0x193: {  	v41 =	vld.idx.msk [tilespmem:v60+s17+$0x0], $0xffff;
	v36 =	vmul.f32 @p1 v26, v36  }
0x194: {  	v49 =	vld.idx.msk [tilespmem:v61+s17+$0x0], $0xffff;
	s5 =	smov.u32 @p1 s23;
	s23 =	sor.u32 s24, s6;
	[tilespmem:s21+$0x80] =	vst v40;
	v25 =	vtrunc.f32 v51  }
0x195: {  	[tilespmem:s5+$0x100] =	vst @p1 v36;
	v10 =	vld [tilespmem:s23+$0x0];
	v52 =	vcvt.f32.s32 v25  }
0x196: {  	v20 =	vld @p1 [tilespmem:s2+$0x0]  }
0x197: {  	v54 =	vmul.u32 $0xC, v52;
	_ =	sdelay $0x1  }
0x198: {  	v35 =	vadd.s32 $0x6, v54  }
0x199: {  	v14 =	vmax.f32 v10, $-9.998999830e-01;
	v10 =	vadd.s32 $0x12, v54  }
0x19a: {  	v20 =	vmax.f32 @p1 v20, $-9.998999830e-01  }
0x19b: {  	v28 =	vmin.f32 @p1 v20, $9.998999830e-01  }
0x19c: {  	v20 =	vadd.f32 @p1 $1.000000000e+00, v28  }
0x19d: {  	v55 =	vld.idx.msk [tilespmem:v35+s17+$0x0], $0xffff  }
0x19e: {  	v56 =	vmul.f32 @p1 $5.120000000e+02, v20;
	v57 =	vld.idx.msk [tilespmem:v10+s17+$0x0], $0xffff;
	_ =	sdelay $0x1  }
0x19f: {  	v52 =	vcvt.s32.f32 v52;
	v20 =	vtrunc.f32 @p1 v56  }
0x1a0: {  	v14 =	vmin.f32 v14, $9.998999830e-01;
	v60 =	vcvt.f32.s32 @p1 v20;
	v20 =	vsub.f32 @p1 v39, v63  }
0x1a1: {  	v62 =	vadd.f32 $1.000000000e+00, v14  }
0x1a2: {  	v10 =	vmul.f32 @p1 v20, v21;
	v20 =	vsub.f32 v51, v52;
	v21 =	vsub.f32 v57, v55  }
0x1a3: {  	v58 =	vmul.f32 $5.120000000e+02, v62  }
0x1a4: {  	v51 =	vmul.f32 v20, v21;
	v21 =	vld [tilespmem:$0x1FF80]  }
0x1a5: {  	v12 =	vtrunc.f32 v58;
	v62 =	vmul.u32 @p1 $0xC, v60  }
0x1a6: {  	v61 =	vcvt.f32.s32 v12  }
0x1a7: {  	v35 =	vadd.s32 @p1 $0x9, v62;
	v10 =	vadd.f32 @p1 v10, v63  }
0x1a8: {  	v25 =	vmul.u32 $0xC, v61  }
0x1a9: {  	v39 =	vadd.s32 @p1 $0x15, v62;
	v10 =	vmul.f32 @p1 v21, v10;
	v21 =	vld [tilespmem:$0x1FFC0]  }
0x1aa: {  	v29 =	vadd.s32 $0x6, v25  }
0x1ab: {  	v12 =	vadd.s32 $0x12, v25  }
0x1ac: {  	v52 =	vld.idx.msk @p1 [tilespmem:v35+s17+$0x0], $0xffff;
	v35 =	vadd.s32 $0x7, v54;
	_ =	sdelay $0x1  }
0x1ad: {  	v39 =	vld.idx.msk @p1 [tilespmem:v39+s17+$0x0], $0xffff;
	v2 =	vsub.f32 @p1 v2, v21  }
0x1ae: {  	v53 =	vmul.f32 @p1 v53, v42;
	v42 =	vadd.f32 v51, v55;
	v51 =	vcvt.s32.f32 @p1 v60;
	v29 =	vld.idx.msk [tilespmem:v29+s17+$0x0], $0xffff  }
0x1af: {  	v57 =	vadd.s32 $0x13, v54;
	v12 =	vld.idx.msk [tilespmem:v12+s17+$0x0], $0xffff;
	v2 =	vmul.f32 @p1 v2, v37;
	v37 =	vcvt.s32.f32 v61  }
0x1b0: {  	(erf) = vrcp.f32 v42;
	v42 =	vsub.f32 @p1 v56, v51;
	v51 =	vld.idx.msk [tilespmem:v35+s17+$0x0], $0xffff  }
0x1b1: {  	v35 =	vsub.f32 v58, v37;
	v37 =	vld [tilespmem:$0x1FF90];
	_ =	sdelay $0x1  }
0x1b2: {  	v61 =	vadd.s32 @p1 $0x16, v47  }
0x1b3: {  	v57 =	vld.idx.msk [tilespmem:v57+s17+$0x0], $0xffff;
	v39 =	vsub.f32 @p1 v39, v52  }
0x1b4: {  	v55 =	vadd.s32 @p1 $0xA, v47;
	v12 =	vsub.f32 v12, v29  }
0x1b5: {  	v39 =	vmul.f32 @p1 v42, v39;
	v58 =	vmul.f32 @p1 v37, v59  }
0x1b6: {  	v43 =	vadd.f32 @p1 v53, v43;
	v53 =	vld [tilespmem:$0x1FFD0];
	v12 =	vmul.f32 v35, v12  }
0x1b7: {  	v39 =	vadd.f32 @p1 v39, v52;
	v10 =	vadd.f32 @p1 v58, v10;
	v58 =	vld.idx.msk @p1 [tilespmem:v61+s17+$0x0], $0xffff  }
0x1b8: {  	v56 =	vadd.s32 @p1 $0xB, v47;
	v12 =	vadd.f32 v12, v29;
	v61 =	vsub.f32 v57, v51;
	v57 =	vld [tilespmem:$0x1FFA0]  }
0x1b9: {  	v63 =	vadd.s32 $0x7, v25;
	v60 =	vmul.f32 @p1 $5.000000000e-01, v59;
	v55 =	vld.idx.msk @p1 [tilespmem:v55+s17+$0x0], $0xffff;
	(erf) = vrcp.f32 @p1 v39  }
0x1ba: {  	v47 =	vadd.s32 @p1 $0x17, v47;
	(erf) = vrcp.f32 v12;
	v12 =	vsub.f32 @p1 v33, v30;
	v33 =	vld [tilespmem:$0x1FFE0]  }
0x1bb: {  	v2 =	vadd.f32 @p1 v2, v21;
	v37 =	vadd.s32 $0x13, v25  }
0x1bc: {  	v21 =	vadd.s32 $0x8, v54;
	v59 =	vmul.f32 @p1 v60, v59;
	v60 =	vmul.f32 v20, v61  }
0x1bd: {  	v52 =	vld.idx.msk @p1 [tilespmem:v56+s17+$0x0], $0xffff;
	v61 =	vadd.s32 $0x14, v54;
	v54 =	vmul.f32 @p1 $5.000000000e-01, v57  }
0x1be: {  	v56 =	vld.idx.msk [tilespmem:v63+s17+$0x0], $0xffff;
	v2 =	vmul.f32 @p1 v53, v2;
	v29 =	vadd.f32 v60, v51  }
0x1bf: {  	v47 =	vld.idx.msk @p1 [tilespmem:v47+s17+$0x0], $0xffff;
	v33 =	vmul.f32 @p1 v33, v57;
	v54 =	vmul.f32 @p1 v54, v57;
	v57 =	vsub.f32 @p1 v58, v55;
	v58 =	vpop (erf)  }
0x1c0: {  	v37 =	vld.idx.msk [tilespmem:v37+s17+$0x0], $0xffff;
	v29 =	vmul.f32 v58, v29  }
0x1c1: {  	v12 =	vmul.f32 @p1 v12, v15;
	v15 =	vadd.f32 @p1 v33, v2;
	v33 =	vld.idx.msk [tilespmem:v21+s17+$0x0], $0xffff  }
0x1c2: {  	v51 =	vadd.f32 $0.0e+00, v34;
	v34 =	vld.idx.msk [tilespmem:v61+s17+$0x0], $0xffff;
	[tilespmem:s30+$0x100] =	vst v29  }
0x1c3: {  	v21 =	vld [tilespmem:$0x1FFB0];
	_ =	sdelay $0x2  }
0x1c4: {  	v44 =	vmul.f32 @p2 v48, v44;
	v12 =	vadd.f32 @p1 v12, v30  }
0x1c5: {  	v26 =	vmul.f32 @p1 v26, v43;
	v47 =	vsub.f32 @p1 v47, v52;
	v37 =	vsub.f32 v37, v56  }
0x1c6: {  	v10 =	vsub.f32 @p1 v10, v59;
	v12 =	vmul.f32 @p1 v23, v12;
	v23 =	vmul.f32 @p1 $5.000000000e-01, v21  }
0x1c7: {  	s29 =	sadd.s32 $0x4980, s26;
	v63 =	vadd.s32 $0x8, v25;
	v57 =	vmul.f32 @p1 v45, v57;
	v37 =	vmul.f32 v35, v37  }
0x1c8: {  	s31 =	sor.u32 s25, s29;
	v25 =	vadd.s32 $0x14, v25;
	v10 =	vadd.f32 @p1 $0.0e+00, v10;
	v45 =	vmul.f32 @p1 v47, v45  }
0x1c9: {  	v53 =	vpop @p1 (erf);
	v30 =	vadd.f32 @p1 v57, v55;
	v57 =	vld [tilespmem:s31+$0x0];
	v59 =	vadd.f32 v37, v56;
	v24 =	vmul.f32 @p1 v24, v21  }
0x1ca: {  	v61 =	vsub.f32 v49, v41;
	v37 =	vadd.f32 @p1 v45, v52;
	v45 =	vmul.f32 @p1 v23, v21;
	v23 =	vpop (erf)  }
0x1cb: {  	v47 =	vsub.f32 @p1 v15, v54;
	v12 =	vadd.f32 @p1 v24, v12;
	v24 =	vmul.f32 v23, v59  }
0x1cc: {  	v11 =	vsub.f32 v11, v7;
	v36 =	vmul.f32 @p1 v36, v8;
	v39 =	vld.idx.msk [tilespmem:v63+s17+$0x0], $0xffff;
	v15 =	vmul.f32 @p1 v50, v30  }
0x1cd: {  	s2 =	sor.u32 s24, s29;
	v25 =	vld.idx.msk [tilespmem:v25+s17+$0x0], $0xffff;
	v31 =	vmul.f32 v61, v31;
	v10 =	vadd.f32 @p1 v47, v10;
	v52 =	vmul.f32 @p1 $5.000000000e-01, v32;
	[tilespmem:s21+$0x100] =	vst v24  }
0x1ce: {  	v37 =	vmul.f32 @p1 v50, v37;
	v54 =	vmul.f32 @p1 v15, v32;
	v60 =	vmax.f32 v57, $-9.998999830e-01;
	v21 =	vld [tilespmem:s2+$0x0]  }
0x1cf: {  	v47 =	vadd.s32 @p1 $0x16, v62;
	v32 =	vmul.f32 @p1 v52, v32;
	v30 =	vmin.f32 v60, $9.998999830e-01  }
0x1d0: {  	v37 =	vadd.f32 @p1 v54, v37;
	v12 =	vsub.f32 @p1 v12, v45;
	v45 =	vadd.s32 @p1 $0xA, v62  }
0x1d1: {  	v2 =	vmul.f32 @p2 v48, v46;
	v31 =	vadd.f32 v31, v41;
	v63 =	vadd.f32 $1.000000000e+00, v30  }
0x1d2: {  	v46 =	vadd.s32 @p1 $0x17, v62;
	v10 =	vadd.f32 @p1 v12, v10;
	v12 =	vsub.f32 @p1 v37, v32  }
0x1d3: {  	v52 =	vadd.s32 @p1 $0xB, v62;
	v49 =	vmul.f32 $5.120000000e+02, v63;
	v54 =	vmax.f32 v21, $-9.998999830e-01  }
0x1d4: {  	v32 =	vmul.f32 @p2 v2, v27;
	v27 =	vadd.f32 @p1 v12, v10;
	v10 =	vld.idx.msk @p1 [tilespmem:v47+s17+$0x0], $0xffff;
	v8 =	vmin.f32 v54, $9.998999830e-01  }
0x1d5: {  	v16 =	vmul.f32 v16, v5;
	v6 =	vmul.f32 v40, v6;
	v37 =	vld.idx.msk @p1 [tilespmem:v45+s17+$0x0], $0xffff;
	v56 =	vadd.f32 $1.000000000e+00, v8  }
0x1d6: {  	v26 =	vadd.f32 @p1 v36, v26;
	v31 =	vmul.f32 v38, v31;
	v45 =	vtrunc.f32 v49  }
0x1d7: {  	v40 =	vld.idx.msk @p1 [tilespmem:v46+s17+$0x0], $0xffff;
	v32 =	vadd.f32 @p2 v32, v44;
	v48 =	vcvt.f32.s32 v45;
	v44 =	vmul.f32 $5.120000000e+02, v56  }
0x1d8: {  	v9 =	vsub.f32 @p1 v26, v9;
	v43 =	vmul.f32 @p1 $5.000000000e-01, v28;
	v6 =	vadd.f32 v6, v31;
	v38 =	vld.idx.msk @p1 [tilespmem:v52+s17+$0x0], $0xffff  }
0x1d9: {  	v25 =	vsub.f32 v25, v39;
	v55 =	vmul.u32 $0xC, v48;
	v60 =	vtrunc.f32 v44  }
0x1da: {  	v1 =	vsub.f32 v6, v1;
	v6 =	vsub.f32 @p1 v10, v37;
	v10 =	vcvt.f32.s32 v60  }
0x1db: {  	v36 =	vmul.f32 @p1 v43, v28;
	v25 =	vmul.f32 v25, v35;
	v57 =	vadd.s32 $0x9, v55  }
0x1dc: {  	v28 =	vpsel p1, v28, v0;
	v52 =	vld [tilespmem:$0x1FFF0];
	v59 =	vadd.s32 $0x15, v55;
	v62 =	vmul.u32 $0xC, v10  }
0x1dd: {  	v61 =	vmul.f32 $5.000000000e-01, v14;
	v25 =	vadd.f32 v25, v39;
	v26 =	vsub.f32 @p1 v40, v38  }
0x1de: {  	v34 =	vsub.f32 v34, v33;
	v1 =	vadd.f32 v1, v51;
	v45 =	vadd.s32 $0x9, v62  }
0x1df: {  	v19 =	vsub.f32 @p2 v32, v19;
	v26 =	vmul.f32 @p1 v26, v42;
	v46 =	vadd.s32 $0x15, v62  }
0x1e0: {  	v40 =	vmul.f32 v61, v14;
	v12 =	vcvt.s32.f32 v48;
	v51 =	vadd.s32 $0xB, v55;
	v31 =	vld.idx.msk [tilespmem:v57+s17+$0x0], $0xffff  }
0x1e1: {  	v19 =	vadd.f32 @p2 v19, v22;
	v26 =	vadd.f32 @p1 v26, v38;
	v3 =	vmul.f32 v3, v52;
	v63 =	vld.idx.msk [tilespmem:v59+s17+$0x0], $0xffff  }
0x1e2: {  	v21 =	vld [tilespmem:$0x1FF70];
	v47 =	vadd.s32 $0xA, v55;
	v12 =	vsub.f32 v49, v12;
	v6 =	vmul.f32 @p1 v42, v6  }
0x1e3: {  	v48 =	vadd.s32 $0x16, v55;
	v49 =	vmul.f32 v11, v0;
	v26 =	vpsel p1, v26, v0;
	v50 =	vld.idx.msk [tilespmem:v45+s17+$0x0], $0xffff  }
0x1e4: {  	v42 =	vpsel p1, v53, v0;
	v53 =	vmul.f32 $5.000000000e-01, v52;
	v6 =	vadd.f32 @p1 v6, v37;
	v38 =	vld.idx.msk [tilespmem:v46+s17+$0x0], $0xffff  }
0x1e5: {  	v41 =	vadd.s32 $0x17, v55;
	v22 =	vmul.f32 @p1 v42, v26;
	v26 =	vld.idx.msk [tilespmem:v51+s17+$0x0], $0xffff;
	v51 =	vmul.f32 v29, v13  }
0x1e6: {  	v54 =	vld [tilespmem:$0x1FF50];
	v6 =	vpsel p1, v6, v0;
	v0 =	vadd.f32 v49, v7;
	v37 =	vsub.f32 v63, v31  }
0x1e7: {  	v35 =	vld.idx.msk [tilespmem:v47+s17+$0x0], $0xffff;
	v7 =	vmul.f32 v53, v52;
	v55 =	vcvt.s32.f32 v10;
	v60 =	vadd.s32 $0x16, v62  }
0x1e8: {  	v57 =	vld [tilespmem:$0x1FF60];
	v49 =	vmul.f32 $5.000000000e-01, v13;
	v59 =	vadd.s32 $0xA, v62;
	v37 =	vmul.f32 v12, v37  }
0x1e9: {  	v56 =	vld.idx.msk [tilespmem:v48+s17+$0x0], $0xffff;
	v0 =	vmul.f32 v4, v0;
	v4 =	vsub.f32 v44, v55;
	v38 =	vsub.f32 v38, v50  }
0x1ea: {  	v6 =	vmul.f32 @p1 v42, v6;
	v61 =	vadd.s32 $0xB, v62;
	v31 =	vadd.f32 v37, v31  }
0x1eb: {  	v41 =	vld.idx.msk [tilespmem:v41+s17+$0x0], $0xffff;
	v42 =	vsub.f32 v54, v17;
	v32 =	vadd.s32 $0x17, v62;
	v62 =	vmul.f32 v4, v38  }
0x1ec: {  	v9 =	vadd.f32 @p1 v9, v21;
	v52 =	vmul.f32 $5.000000000e-01, v30;
	v43 =	vld.idx.msk [tilespmem:v60+s17+$0x0], $0xffff;
	(erf) = vrcp.f32 v31  }
0x1ed: {  	v0 =	vadd.f32 v3, v0;
	v37 =	vmul.f32 v42, v57;
	v31 =	vld.idx.msk [tilespmem:v59+s17+$0x0], $0xffff;
	v11 =	vadd.f32 v62, v50  }
0x1ee: {  	v28 =	vmul.f32 @p1 v6, v28;
	v63 =	vmul.f32 $5.000000000e-01, v5;
	v10 =	vsub.f32 v56, v35  }
0x1ef: {  	v0 =	vsub.f32 v0, v7;
	v45 =	vld.idx.msk [tilespmem:v61+s17+$0x0], $0xffff;
	v17 =	vadd.f32 v37, v17;
	(erf) = vrcp.f32 v11  }
0x1f0: {  	v44 =	vsub.f32 v41, v26;
	v10 =	vmul.f32 v12, v10;
	v3 =	vmul.f32 v63, v5;
	v47 =	vld.idx.msk [tilespmem:v32+s17+$0x0], $0xffff  }
0x1f1: {  	v0 =	vadd.f32 $0.0e+00, v0;
	v17 =	vmul.f32 v18, v17;
	v38 =	vmul.f32 v34, v20  }
0x1f2: {  	v12 =	vmul.f32 v44, v12;
	v10 =	vadd.f32 v10, v35;
	v18 =	vsub.f32 v43, v31  }
0x1f3: {  	v61 =	vmul.f32 $5.000000000e-01, v8;
	v46 =	vadd.f32 v16, v17;
	v7 =	vadd.f32 v38, v33  }
0x1f4: {  	v12 =	vadd.f32 v12, v26;
	v59 =	vmul.f32 v23, v25;
	v53 =	vmul.f32 v4, v18  }
0x1f5: {  	v3 =	vsub.f32 v46, v3;
	v50 =	vpop (erf);
	v48 =	vmul.f32 v58, v7;
	v11 =	vsub.f32 v47, v45  }
0x1f6: {  	v56 =	vadd.f32 v53, v31;
	v10 =	vmul.f32 v50, v10;
	v7 =	vmul.f32 v49, v13  }
0x1f7: {  	v12 =	vmul.f32 v50, v12;
	v5 =	vadd.f32 v51, v48;
	v4 =	vmul.f32 v11, v4  }
0x1f8: {  	v0 =	vadd.f32 v3, v0;
	v58 =	vmul.f32 v24, v14;
	v54 =	vmul.f32 v10, v30;
	v60 =	vpop (erf)  }
0x1f9: {  	[tilespmem:s0+$0x180] =	vst @p2 v2;
	v55 =	vsub.f32 v5, v7;
	v4 =	vadd.f32 v4, v45;
	v5 =	vmul.f32 v60, v56  }
0x1fa: {  	[tilespmem:s28+$0x180] =	vst @p1 v15;
	v13 =	vmul.f32 v52, v30;
	v57 =	vadd.f32 v54, v12;
	v7 =	vadd.f32 v58, v59  }
0x1fb: {  	[tilespmem:s22+$0xF490] =	vst @p1 v27;
	v0 =	vadd.f32 v55, v0;
	v4 =	vmul.f32 v60, v4;
	v62 =	vmul.f32 v5, v8  }
0x1fc: {  	v3 =	vmul.f32 v61, v8;
	v14 =	vadd.f32 @p1 v28, v22;
	v11 =	vmovc @p1 v36;
	v2 =	vsub.f32 v57, v13  }
0x1fd: {  	s0 =	smov.u32 @p1 s5;
	[tilespmem:s3+$0xF480] =	vst @p2 v19;
	v7 =	vsub.f32 v7, v40;
	v11 =	vpsel p1, v11, v0;
	v4 =	vadd.f32 v62, v4  }
0x1fe: {  	[tilespmem:s0+$0x180] =	vst @p1 v6;
	v9 =	vpsel p1, v9, v0;
	v0 =	vadd.f32 v2, v0;
	v8 =	vsub.f32 @p1 v14, v11  }
0x1ff: {  	[tilespmem:s30+$0x180] =	vst v10;
	v1 =	vadd.f32 v7, v1;
	v3 =	vsub.f32 v4, v3  }
0x200: {  	s0 =	smov.u32 @p1 s22;
	[tilespmem:s1+$0xF490] =	vst v0;
	v2 =	vadd.f32 @p1 v8, v9  }
0x201: {  	s0 =	smov.u32 @p1 s0;
	[tilespmem:s21+$0x180] =	vst v5;
	v63 =	vadd.f32 v3, v1  }
0x202: {  	[tilespmem:s0+$0xF480] =	vst @p1 v2  }
0x203: {  	s0 =	simm.s32 @p0 $0x0;
	[tilespmem:s1+$0xF480] =	vst v63;
	s1 =	simm.s32 @p0 $0x9280  }
0x204: {  	[hbm4b:s14+s0] =	stream.linear.scatter @p0 [tilespmem:s1], [sflag:$0x1], $0x5800, $0x38;
	[tilespmem:$0x10D00] =	vst v63  }
0x205: {  	s1 =	simm.s32 @p0 $0x1  }
0x206: {  	_ =	swait.ge @p0 [sflag:s1], $0x5800  }
0x207: {  	[sflag:s1] =	ssyncset.done @p0 $0x0  }
0x208: {  	s2 =	simm.s32 @p0 $0xF480;
	[sflag:s1] =	ssyncadd.s32 @p0 $0xFFFFA800  }
0x209: {  	[hbm4b:s15+s0] =	stream.linear.scatter @p0 [tilespmem:s2], [sflag:$0x1], $0x15C0, $0x38;
	[tilespmem:$0x10D00] =	vst v63  }
0x20a: {  	_ =	swait.ge @p0 [sflag:s1], $0x15C0  }
0x20b: {  	[sflag:s1] =	ssyncset.done @p0 $0x0  }
0x20c: {  	s0 =	simm.s32 @!p0 $0x0;
	[sflag:s1] =	ssyncadd.s32 @p0 $0xFFFFEA40;
	s1 =	simm.s32 @!p0 $0x9280  }
0x20d: {  	[hbm4b:s12+s0] =	stream.linear.scatter @!p0 [tilespmem:s1], [sflag:$0x1], $0x6200, $0x38;
	[tilespmem:$0x10D00] =	vst v63  }
0x20e: {  	s1 =	simm.s32 @!p0 $0x1  }
0x20f: {  	_ =	swait.ge @!p0 [sflag:s1], $0x6200  }
0x210: {  	s19 =	sadd.s32 $0x1, s19;
	[sflag:s1] =	ssyncset.done @!p0 $0x0  }
0x211: {  	p1 =	sne.s32 s19, s16;
	s2 =	simm.s32 @!p0 $0xF480;
	[sflag:s1] =	ssyncadd.s32 @!p0 $0xFFFF9E00  }
0x212: {  	[hbm4b:s13+s0] =	stream.linear.scatter @!p0 [tilespmem:s2], [sflag:$0x1], $0x1880, $0x38;
	[tilespmem:$0x10D00] =	vst v63  }
.Ltmp4:
0x213: {  	_ = 	snop;
	(pc) =	sbr.rel @p1 .LBB2_1-.Ltmp4, $4  }
.Ltmp5:
0x214: {  	_ = 	snop;
	(pc) =	sbr.rel @!p1 .LBB2_10-.Ltmp5, $4  }
0x215: {  	_ =	swait.ge @!p0 [sflag:s1], $0x1880  }
0x216: {  	[sflag:s1] =	ssyncset.done @!p0 $0x0  }
0x217: {  	[sflag:s1] =	ssyncadd.s32 @!p0 $0xFFFFE780  }
0x218: {  	_ = 	snop  }
.LBB2_2:
0x219: {  	_ = 	snop  }
0x21a: {  	_ = 	snop  }
0x21b: {  	_ = 	snop  }
.Ltmp6:
0x21c: {  	(pc) =	sbr.rel .LBB2_9-.Ltmp6, $4  }
0x21d: {  	_ = 	snop  }
0x21e: {  	_ = 	snop  }
0x21f: {  	_ = 	snop  }
0x220: {  	s30 =	smov.u32 s28;
	[tilespmem:$0x1FFF0] =	vst v59  }
.LBB2_4:
0x221: {  	[tilespmem:$0x1FF70] =	vst v63  }
0x222: {  	[tilespmem:$0x1FF80] =	vst v4  }
.Ltmp7:
0x223: {  	[tilespmem:$0x1FF90] =	vst v3;
	(pc) =	sbr.rel .LBB2_9-.Ltmp7, $4  }
0x224: {  	[tilespmem:$0x1FFA0] =	vst v5  }
0x225: {  	s23 =	smov.u32 s21;
	s21 =	smov.u32 s31;
	[tilespmem:$0x1FFF0] =	vst v10  }
0x226: {  	v39 =	vmovc v11;
	v63 =	vmovc v7;
	v21 =	vmov v0;
	v11 =	vmov v17;
	v0 =	vmov v12;
	s26 =	smov.u32 s6;
	s24 =	smov.u32 s5;
	s30 =	smov.u32 s29;
	[tilespmem:$0x1FFB0] =	vst v37  }
0x227: {  	v7 =	vmovc v16;
	v4 =	vmovc v13;
	v3 =	vmov v14;
	s25 =	smov.u32 s3;
	v5 =	vmov v18;
	s22 =	simm.s32 $0x0;
	s1 =	simm.s32 $0x20;
	[tilespmem:$0x1FFC0] =	vst v25;
	v37 =	vmov v29  }
.LBB2_6:
0x228: {  	[tilespmem:$0x1FFC0] =	vst v29  }
0x229: {  	[tilespmem:$0x1FF80] =	vst v13  }
0x22a: {  	[tilespmem:$0x1FF90] =	vst v14  }
0x22b: {  	[tilespmem:$0x1FFF0] =	vst v21  }
.Ltmp8:
0x22c: {  	[tilespmem:$0x1FFA0] =	vst v18;
	(pc) =	sbr.rel .LBB2_9-.Ltmp8, $4  }
0x22d: {  	[tilespmem:$0x1FFE0] =	vst v28  }
0x22e: {  	s0 =	smov.u32 s21;
	[tilespmem:$0x1FFD0] =	vst v26  }
0x22f: {  	s23 =	smov.u32 s31;
	s21 =	smov.u32 s6;
	[tilespmem:$0x1FFB0] =	vst v31;
	s28 =	smov.u32 s29  }
0x230: {  	v39 =	vmovc v17;
	v63 =	vmovc v16;
	v59 =	vmov v10;
	v37 =	vmov v20;
	v21 =	vmov v12;
	[tilespmem:$0x1FF70] =	vst v36;
	s3 =	simm.s32 $0x0;
	s1 =	simm.s32 $0x40;
	s9 =	simm.s32 $0x0  }
.LBB2_10:
0x231: {  	_ =	sfence.sel $0x180000  }
0x232: {  	[bflag:$0x0] =	sbarrier.arrive $0xFFFF  }
0x233: {  	_ =	strace $0x90000047  }
0x234: {  	s0 =	stileid.u32;
	[bflag:$0x2] =	sbarrier.arrive $0xFFFF  }
0x235: {  	p0 =	sne.s32 s0, $0x0;
	s0 =	rddreg [dreg:$0x3]  }
0x236: {  	s0 =	sadd.s32 @!p0 $0x100000, s0  }
0x237: {  	[sflag:s0] =	ssyncadd.tile.s32 @!p0 $0x1;
	_ =	shalt  }
.Lfunc_end2:
_tile_overlayer_lowered:
.L_overlay_start_2:
0x238: {  	(tag) =	ssettag $0x2  }
0x239: {  	s0 =	rddreg [dreg:$0x0];
	s2 =	stileid.u32  }
0x23a: {  	s1 =	rddreg [dreg:$0x1];
	p0 =	sne.s32 s2, $0x0  }
0x23b: {  	s3 =	rddreg [dreg:$0x2];
	[bflag:$0x3] =	sbarrier.arrive $0xFFFF;
	s2 =	simm.s32 @!p0 $0x1C01  }
0x23c: {  	[timem:s3], [sflag:s2] =	dma.local @!p0 [hbm:s0], s1  }
0x23d: {  	s0 =	simm.s32 @!p0 $0x1  }
0x23e: {  	_ =	swait.ge @!p0 [sflag:s0], s1  }
0x23f: {  	s1 =	ssub.s32 @!p0 $0x0, s1;
	[sflag:s0] =	ssyncset.done @!p0 $0x0  }
0x240: {  	[sflag:s0] =	ssyncadd.s32 @!p0 s1  }
0x241: {  	[bflag:$0x3] =	sbarrier.arrive $0xFFFF  }
0x242: {  	_ =	shalt  }

</sc_bundles>
